<compile_context>
chip_gen: v7x
topology: tpu7x:2x2x1
jax: 0.10.2.dev20260603
libtpu: 0.0.44.dev20260713+nightly
codegen_flags: <defaults>
</compile_context>

<pallas_src>
import functools

import jax
import jax.numpy as jnp
from jax import lax
from jax.experimental import pallas as pl
from jax.experimental.pallas import tpu as pltpu
from jax.experimental.pallas import tpu_sc as plsc

E = 64
H = 768
F = 3072
N = 8192
T = 128
NT = N // T + E
NP = NT * T
TB = 1024
G = N // TB



def _gate_route_body(x_ref, wg_ref, bg_ref,
                     pos_ref, et_ref, vt_ref, aux_ref,
                     eid_s, rib_s, cnt_s, psum_s):
    i = pl.program_id(0)

    @pl.when(i < G)
    def _pass1():
        xb = x_ref[...]
        logits = jnp.dot(xb, wg_ref[...], preferred_element_type=jnp.float32)
        logits = logits + bg_ref[...]
        m = jnp.max(logits, axis=-1, keepdims=True)
        ex = jnp.exp(logits - m)
        s = jnp.sum(ex, axis=-1, keepdims=True)
        probs = ex / s
        ids = lax.broadcasted_iota(jnp.int32, logits.shape, 1)
        eid = jnp.min(jnp.where(logits == m, ids, E), axis=-1, keepdims=True)
        eid_s[pl.ds(i * TB, TB), :] = eid
        psum_s[pl.ds(i, 1), :] = jnp.sum(probs, axis=0, keepdims=True)
        onehot = (ids == eid).astype(jnp.float32)
        cnt_s[pl.ds(i, 1), :] = jnp.sum(onehot, axis=0, keepdims=True)
        row = lax.broadcasted_iota(jnp.int32, (TB, TB), 0)
        col = lax.broadcasted_iota(jnp.int32, (TB, TB), 1)
        tril = (row > col).astype(jnp.float32)
        csum = jnp.dot(tril, onehot, preferred_element_type=jnp.float32)
        rib = jnp.sum(csum * onehot, axis=1, keepdims=True)
        rib_s[pl.ds(i * TB, TB), :] = rib.astype(jnp.int32)

    @pl.when(i >= G)
    def _pass2():
        j = i - G
        bc = cnt_s[...]
        counts = jnp.sum(bc, axis=0, keepdims=True)
        ntiles = jnp.floor((counts + (T - 1)) * (1.0 / T))
        er = lax.broadcasted_iota(jnp.int32, (E, E), 0)
        ec = lax.broadcasted_iota(jnp.int32, (E, E), 1)
        incl = (er <= ec).astype(jnp.float32)
        cum_tiles = jnp.dot(ntiles, incl, preferred_element_type=jnp.float32)
        padded_start = (cum_tiles - ntiles) * T
        gr = lax.broadcasted_iota(jnp.int32, (G, G), 0)
        gc = lax.broadcasted_iota(jnp.int32, (G, G), 1)
        trilG = (gr > gc).astype(jnp.float32)
        blk_base = jnp.dot(trilG, bc, preferred_element_type=jnp.float32)
        sel = (lax.broadcasted_iota(jnp.int32, (G, E), 0) == j)
        base_row = jnp.sum(blk_base * sel.astype(jnp.float32),
                           axis=0, keepdims=True)
        eid = eid_s[pl.ds(j * TB, TB), :]
        ids = lax.broadcasted_iota(jnp.int32, (TB, E), 1)
        oh = (ids == eid).astype(jnp.float32)
        pvec = padded_start + base_row
        pos_f = jnp.sum(oh * pvec, axis=1, keepdims=True)
        pos_ref[...] = pos_f.astype(jnp.int32) + rib_s[pl.ds(j * TB, TB), :]

        @pl.when(j == G - 1)
        def _finalize():
            tile_r = lax.broadcasted_iota(
                jnp.int32, (NT, 1), 0).astype(jnp.float32)
            n_le = jnp.sum((cum_tiles <= tile_r).astype(jnp.float32),
                           axis=1, keepdims=True)
            et_ref[...] = jnp.minimum(n_le, E - 1).astype(jnp.int32)
            total = jnp.sum(ntiles)
            vt_ref[...] = (tile_r < total).astype(jnp.int32)
            ps = jnp.sum(psum_s[...], axis=0, keepdims=True)
            aux_ref[...] = jnp.sum(ps * counts, axis=1, keepdims=True) * (
                float(E) / (float(N) * float(N)))


def _gate_route_call(x, Wg, bg2):
    return pl.pallas_call(
        _gate_route_body,
        grid=(2 * G,),
        in_specs=[
            pl.BlockSpec((TB, H), lambda i: (jnp.where(i < G, i, G - 1), 0)),
            pl.BlockSpec((H, E), lambda i: (0, 0)),
            pl.BlockSpec((1, E), lambda i: (0, 0)),
        ],
        out_specs=[
            pl.BlockSpec((TB, 1), lambda i: (jnp.where(i < G, 0, i - G), 0)),
            pl.BlockSpec((NT, 1), lambda i: (0, 0)),
            pl.BlockSpec((NT, 1), lambda i: (0, 0)),
            pl.BlockSpec((1, 1), lambda i: (0, 0)),
        ],
        out_shape=[
            jax.ShapeDtypeStruct((N, 1), jnp.int32),
            jax.ShapeDtypeStruct((NT, 1), jnp.int32),
            jax.ShapeDtypeStruct((NT, 1), jnp.int32),
            jax.ShapeDtypeStruct((1, 1), jnp.float32),
        ],
        scratch_shapes=[
            pltpu.VMEM((N, 1), jnp.int32),
            pltpu.VMEM((N, 1), jnp.int32),
            pltpu.VMEM((G, E), jnp.float32),
            pltpu.VMEM((G, E), jnp.float32),
        ],
        compiler_params=pltpu.CompilerParams(
            dimension_semantics=("arbitrary",),
        ),
    )(x, Wg, bg2)



KF = 2
FH = F // KF


def _expert_body(et_ref, vt_ref, xs_ref, w1_ref, b1_ref, w2_ref, b2_ref,
                 wg_ref, bg_ref, ys_ref):
    del et_ref
    i = pl.program_id(0)
    k = pl.program_id(1)

    @pl.when(vt_ref[i, 0] > 0)
    def _():
        xb = xs_ref[...]
        logits = jnp.dot(xb, wg_ref[...], preferred_element_type=jnp.float32)
        logits = logits + bg_ref[...]
        m = jnp.max(logits, axis=-1, keepdims=True)
        p = 1.0 / jnp.sum(jnp.exp(logits - m), axis=-1, keepdims=True)
        h = jnp.dot(xb, w1_ref[0], preferred_element_type=jnp.float32)
        h = jnp.maximum(h + b1_ref[0], 0.0)
        o = jnp.dot(h, w2_ref[0], preferred_element_type=jnp.float32)

        @pl.when(k == 0)
        def _init():
            ys_ref[...] = (o + b2_ref[0]) * p

        @pl.when(k > 0)
        def _acc():
            ys_ref[...] += o * p


def _expert_call(expert_tile, valid_tile, xs, W1, b1, W2, b2, Wg, bg2):
    grid_spec = pltpu.PrefetchScalarGridSpec(
        num_scalar_prefetch=2,
        grid=(NT, KF),
        in_specs=[
            pl.BlockSpec((T, H), lambda i, k, et, vt: (i, 0)),
            pl.BlockSpec((1, H, FH), lambda i, k, et, vt: (et[i, 0], 0, k)),
            pl.BlockSpec((1, 1, FH), lambda i, k, et, vt: (et[i, 0], 0, k)),
            pl.BlockSpec((1, FH, H), lambda i, k, et, vt: (et[i, 0], k, 0)),
            pl.BlockSpec((1, 1, H), lambda i, k, et, vt: (et[i, 0], 0, 0)),
            pl.BlockSpec((H, E), lambda i, k, et, vt: (0, 0)),
            pl.BlockSpec((1, E), lambda i, k, et, vt: (0, 0)),
        ],
        out_specs=pl.BlockSpec((T, H), lambda i, k, et, vt: (i, 0)),
    )
    return pl.pallas_call(
        _expert_body,
        grid_spec=grid_spec,
        out_shape=jax.ShapeDtypeStruct((NP, H), jnp.float32),
        compiler_params=pltpu.CompilerParams(
            dimension_semantics=("arbitrary", "arbitrary"),
        ),
    )(expert_tile, valid_tile, xs, W1, b1, W2, b2, Wg, bg2)



@functools.lru_cache(maxsize=None)
def _make_sc_gather(n_rows_out, d):
    info = plsc.get_sparse_core_info()
    _NC = info.num_cores
    _NW = info.num_cores * info.num_subcores
    b_per_w = n_rows_out // _NW
    ch = 64 if b_per_w % 64 == 0 else b_per_w
    n_ch = b_per_w // ch
    mesh = plsc.VectorSubcoreMesh(core_axis_name="c", subcore_axis_name="s")

    @functools.partial(
        pl.kernel,
        mesh=mesh,
        out_type=jax.ShapeDtypeStruct((n_rows_out, d), jnp.float32),
        scratch_types=[
            pltpu.VMEM((b_per_w,), jnp.int32),
            pltpu.VMEM((ch, d), jnp.float32),
            pltpu.SemaphoreType.DMA,
        ],
    )
    def k(table_hbm, idx_hbm, out_hbm, idx_v, rows_v, sem):
        wid = lax.axis_index("s") * _NC + lax.axis_index("c")
        base = wid * b_per_w
        pltpu.sync_copy(idx_hbm.at[pl.ds(base, b_per_w)], idx_v)
        for c in range(n_ch):
            pltpu.async_copy(
                table_hbm.at[idx_v.at[pl.ds(c * ch, ch)]], rows_v, sem
            ).wait()
            pltpu.sync_copy(rows_v, out_hbm.at[pl.ds(base + c * ch, ch)])

    return k


def _gather_rows(table, idx):
    return _make_sc_gather(idx.shape[0], table.shape[1])(table, idx)


@functools.lru_cache(maxsize=None)
def _make_sc_scatter(n_rows_in, n_rows_out, d):
    info = plsc.get_sparse_core_info()
    _NC = info.num_cores
    _NW = info.num_cores * info.num_subcores
    b_per_w = n_rows_in // _NW
    ch = 64 if b_per_w % 64 == 0 else b_per_w
    n_ch = b_per_w // ch
    mesh = plsc.VectorSubcoreMesh(core_axis_name="c", subcore_axis_name="s")

    @functools.partial(
        pl.kernel,
        mesh=mesh,
        out_type=jax.ShapeDtypeStruct((n_rows_out, d), jnp.float32),
        scratch_types=[
            pltpu.VMEM((n_ch, ch), jnp.int32),
            pltpu.VMEM((ch, d), jnp.float32),
            pltpu.SemaphoreType.DMA,
        ],
    )
    def k(src_hbm, idx_hbm, out_hbm, idx_v, rows_v, sem):
        wid = lax.axis_index("s") * _NC + lax.axis_index("c")
        base = wid * b_per_w
        pltpu.sync_copy(idx_hbm.at[wid], idx_v)
        for c in range(n_ch):
            pltpu.sync_copy(src_hbm.at[pl.ds(base + c * ch, ch)], rows_v)
            pltpu.async_copy(rows_v, out_hbm.at[idx_v.at[c]], sem).wait()

    return k


def _scatter_rows(src, idx, n_rows_out):
    info = plsc.get_sparse_core_info()
    nw = info.num_cores * info.num_subcores
    b_per_w = src.shape[0] // nw
    ch = 64 if b_per_w % 64 == 0 else b_per_w
    idx3 = idx.reshape(nw, b_per_w // ch, ch)
    return _make_sc_scatter(src.shape[0], n_rows_out, src.shape[1])(src, idx3)



def kernel(x, Wg, bg, W1, b1, W2, b2):
    bg2 = bg.reshape(1, E)
    pos2, expert_tile, valid_tile, aux11 = _gate_route_call(x, Wg, bg2)
    pos = pos2[:, 0]
    aux = aux11.reshape(())
    xs = _scatter_rows(x, pos, NP)
    ys = _expert_call(expert_tile, valid_tile, xs, W1, b1[:, None, :], W2,
                      b2[:, None, :], Wg, bg2)
    y = _gather_rows(ys, pos)
    return y, aux

# --- scband reference (transcript-rebuilt; emitter-appended) ---
"""Pipeline reference for scband-distributed-mo-e-57732950393352 (READ-ONLY COPY).

The authoritative reference and input builder live on the scoring server;
editing this copy changes nothing except your own understanding.
"""

import jax, jax.numpy as jnp
import numpy as np

NUM_EXPERTS = 64
TOP_K = 1
HIDDEN = 768
EXPERT_DIM = 3072
N_TOK = 8192


def setup_inputs(seed: int = 0) -> dict:
    key = jax.random.key(seed)
    ks = jax.random.split(key, 8)
    x = jax.random.normal(ks[0], (N_TOK, HIDDEN), dtype=jnp.float32)
    Wg = jax.random.normal(ks[1], (HIDDEN, NUM_EXPERTS), dtype=jnp.float32) * 0.02
    bg = jnp.zeros((NUM_EXPERTS,), dtype=jnp.float32)
    W1 = jax.random.normal(ks[2], (NUM_EXPERTS, HIDDEN, EXPERT_DIM), dtype=jnp.float32) * 0.02
    b1 = jnp.zeros((NUM_EXPERTS, EXPERT_DIM), dtype=jnp.float32)
    W2 = jax.random.normal(ks[3], (NUM_EXPERTS, EXPERT_DIM, HIDDEN), dtype=jnp.float32) * 0.02
    b2 = jnp.zeros((NUM_EXPERTS, HIDDEN), dtype=jnp.float32)
    return {"x": x, "Wg": Wg, "bg": bg, "W1": W1, "b1": b1, "W2": W2, "b2": b2}


def reference(x, Wg, bg, W1, b1, W2, b2):
    # gate
    logits = x @ Wg + bg
    probs = jax.nn.softmax(logits, axis=-1)
    topk_vals, topk_idx = jax.lax.top_k(probs, TOP_K)
    y = jnp.zeros_like(x)
    # world_size == 1 -> all experts are local
    expert_ids = jnp.arange(NUM_EXPERTS, dtype=topk_idx.dtype)

    def body(y_acc, xs):
        W1e, b1e, W2e, b2e, probs_e, e = xs
        selected = (topk_idx == e).any(axis=-1)
        h = jax.nn.relu(x @ W1e + b1e)
        out = h @ W2e + b2e
        scaling = jnp.where(selected, probs_e / TOP_K, 0.0)[:, None]
        return y_acc + out * scaling, None

    y, _ = jax.lax.scan(body, y, (W1, b1, W2, b2, probs.T, expert_ids))
    # Switch-style aux loss
    prob_per_expert = probs.mean(axis=0)
    expert_mask = jnp.zeros_like(probs).at[jnp.arange(probs.shape[0])[:, None], topk_idx].set(1.0)
    tokens_per_expert = expert_mask.mean(axis=0)
    aux_loss = (prob_per_expert * tokens_per_expert).sum() * NUM_EXPERTS
    return (y, aux_loss)

if __name__ == "__main__":
    import jax
    _d = setup_inputs()
    print(jax.jit(kernel)(*tuple(_d.values())))

</pallas_src>

<mosaic_0001>
#map = affine_map<(d0, d1) -> (0, 0)>
#map1 = affine_map<(d0, d1) -> (0, 0, 0)>
module attributes {stable_mosaic.version = 14 : i64} {
  func.func @k(%arg0: i32, %arg1: i32, %arg2: memref<8192x768xf32, #tpu.memory_space<hbm>>, %arg3: memref<32x4x64xi32, #tpu.memory_space<hbm>>, %arg4: memref<16384x768xf32, #tpu.memory_space<hbm>>, %arg5: memref<4x64xi32, #tpu.memory_space<vmem>>, %arg6: memref<64x768xf32, #tpu.memory_space<vmem>>, %arg7: memref<!tpu.dma_semaphore, #tpu.memory_space<semaphore_mem>>) attributes {dimension_semantics = [#tpu.dimension_semantics<core_parallel>, #tpu.dimension_semantics<subcore_parallel>], iteration_bounds = array<i64: 2, 16>, scalar_prefetch = 0 : i64, scratch_operands = 3 : i64, tpu.core_type = #tpu.core_type<sc_vector_subcore>, window_params = [{transform_indices = #map}, {transform_indices = #map1}, {transform_indices = #map}]} {
    %mul3A = arith.constant 2 : i32
    %mul3A_0 = arith.muli %arg1, %mul3A : i32
    %add3A = arith.addi %mul3A_0, %arg0 : i32
    %mul3A_1 = arith.constant 256 : i32
    %mul3A_2 = arith.muli %add3A, %mul3A_1 : i32
    "tpu.region"() ({
      %run_scoped3A = tpu.sem_alloc : memref<!tpu.dma_semaphore, #tpu.memory_space<semaphore_mem>>
      %dma_start3A_65 = arith.constant 0 : i32
      %dma_start3A_66 = arith.constant 0 : i32
      %dma_start3A_67 = tpu.memref_slice %arg3[%add3A, %dma_start3A_65, %dma_start3A_66] : memref<32x4x64xi32, #tpu.memory_space<hbm>> -> memref<1x4x64xi32, #tpu.memory_space<hbm>>
      %dma_start3A_68 = tpu.memref_squeeze %dma_start3A_67 : memref<1x4x64xi32, #tpu.memory_space<hbm>> -> memref<4x64xi32, #tpu.memory_space<hbm>>
      %dma_start3A_69 = arith.constant 0 : i32
      %dma_start3A_70 = arith.constant 0 : i32
      %dma_start3A_71 = tpu.memref_slice %arg3[%add3A, %dma_start3A_69, %dma_start3A_70] : memref<32x4x64xi32, #tpu.memory_space<hbm>> -> memref<1x4x64xi32, #tpu.memory_space<hbm>>
      %dma_start3A_72 = tpu.memref_squeeze %dma_start3A_71 : memref<1x4x64xi32, #tpu.memory_space<hbm>> -> memref<4x64xi32, #tpu.memory_space<hbm>>
      tpu.enqueue_dma source(%dma_start3A_72 : memref<4x64xi32, #tpu.memory_space<hbm>>) target(%arg5 : memref<4x64xi32, #tpu.memory_space<vmem>>) target_semaphore(%run_scoped3A : memref<!tpu.dma_semaphore, #tpu.memory_space<semaphore_mem>>)
      %dma_wait3A_73 = arith.constant 0 : i32
      %dma_wait3A_74 = arith.constant 0 : i32
      %dma_wait3A_75 = tpu.memref_slice %arg3[%add3A, %dma_wait3A_73, %dma_wait3A_74] : memref<32x4x64xi32, #tpu.memory_space<hbm>> -> memref<1x4x64xi32, #tpu.memory_space<hbm>>
      %dma_wait3A_76 = tpu.memref_squeeze %dma_wait3A_75 : memref<1x4x64xi32, #tpu.memory_space<hbm>> -> memref<4x64xi32, #tpu.memory_space<hbm>>
      %dma_wait3A_77 = arith.constant 0 : i32
      %dma_wait3A_78 = arith.constant 0 : i32
      %dma_wait3A_79 = tpu.memref_slice %arg3[%add3A, %dma_wait3A_77, %dma_wait3A_78] : memref<32x4x64xi32, #tpu.memory_space<hbm>> -> memref<1x4x64xi32, #tpu.memory_space<hbm>>
      %dma_wait3A_80 = tpu.memref_squeeze %dma_wait3A_79 : memref<1x4x64xi32, #tpu.memory_space<hbm>> -> memref<4x64xi32, #tpu.memory_space<hbm>>
      tpu.wait_dma2 semaphore(%run_scoped3A : memref<!tpu.dma_semaphore, #tpu.memory_space<semaphore_mem>>) src(%dma_wait3A_80 : memref<4x64xi32, #tpu.memory_space<hbm>>) dst(%arg5 : memref<4x64xi32, #tpu.memory_space<vmem>>)
      tpu.yield
    }) : () -> ()
    %add3A_3 = arith.constant 0 : i32
    %add3A_4 = arith.addi %mul3A_2, %add3A_3 : i32
    "tpu.region"() ({
      %run_scoped3A = tpu.sem_alloc : memref<!tpu.dma_semaphore, #tpu.memory_space<semaphore_mem>>
      %dma_start3A_65 = arith.constant 0 : i32
      %dma_start3A_66 = tpu.memref_slice %arg2[%add3A_4, %dma_start3A_65] : memref<8192x768xf32, #tpu.memory_space<hbm>> -> memref<64x768xf32, #tpu.memory_space<hbm>>
      %dma_start3A_67 = arith.constant 0 : i32
      %dma_start3A_68 = tpu.memref_slice %arg2[%add3A_4, %dma_start3A_67] : memref<8192x768xf32, #tpu.memory_space<hbm>> -> memref<64x768xf32, #tpu.memory_space<hbm>>
      tpu.enqueue_dma source(%dma_start3A_68 : memref<64x768xf32, #tpu.memory_space<hbm>>) target(%arg6 : memref<64x768xf32, #tpu.memory_space<vmem>>) target_semaphore(%run_scoped3A : memref<!tpu.dma_semaphore, #tpu.memory_space<semaphore_mem>>)
      %dma_wait3A_69 = arith.constant 0 : i32
      %dma_wait3A_70 = tpu.memref_slice %arg2[%add3A_4, %dma_wait3A_69] : memref<8192x768xf32, #tpu.memory_space<hbm>> -> memref<64x768xf32, #tpu.memory_space<hbm>>
      %dma_wait3A_71 = arith.constant 0 : i32
      %dma_wait3A_72 = tpu.memref_slice %arg2[%add3A_4, %dma_wait3A_71] : memref<8192x768xf32, #tpu.memory_space<hbm>> -> memref<64x768xf32, #tpu.memory_space<hbm>>
      tpu.wait_dma2 semaphore(%run_scoped3A : memref<!tpu.dma_semaphore, #tpu.memory_space<semaphore_mem>>) src(%dma_wait3A_72 : memref<64x768xf32, #tpu.memory_space<hbm>>) dst(%arg6 : memref<64x768xf32, #tpu.memory_space<vmem>>)
      tpu.yield
    }) : () -> ()
    %dma_start3A = arith.constant 0 : i32
    %dma_start3A_5 = arith.constant 0 : i32
    %dma_start3A_6 = tpu.memref_slice %arg5[%dma_start3A, %dma_start3A_5] : memref<4x64xi32, #tpu.memory_space<vmem>> -> memref<1x64xi32, #tpu.memory_space<vmem>>
    %dma_start3A_7 = tpu.memref_squeeze %dma_start3A_6 : memref<1x64xi32, #tpu.memory_space<vmem>> -> memref<64xi32, #tpu.memory_space<vmem>>
    %dma_start3A_8 = arith.constant 0 : i32
    %dma_start3A_9 = arith.constant 0 : i32
    %dma_start3A_10 = tpu.memref_slice %arg4[%dma_start3A_8, %dma_start3A_9] : memref<16384x768xf32, #tpu.memory_space<hbm>> -> memref<16384x768xf32, #tpu.memory_space<hbm>>
    tpu.enqueue_indirect_dma source(%arg6 : memref<64x768xf32, #tpu.memory_space<vmem>>) target(%dma_start3A_10 : memref<16384x768xf32, #tpu.memory_space<hbm>>) offsets(%dma_start3A_7 : memref<64xi32, #tpu.memory_space<vmem>>) semaphore(%arg7 : memref<!tpu.dma_semaphore, #tpu.memory_space<semaphore_mem>>)
    %dma_wait3A = arith.constant 0 : i32
    %dma_wait3A_11 = arith.constant 0 : i32
    %dma_wait3A_12 = tpu.memref_slice %arg5[%dma_wait3A, %dma_wait3A_11] : memref<4x64xi32, #tpu.memory_space<vmem>> -> memref<1x64xi32, #tpu.memory_space<vmem>>
    %dma_wait3A_13 = tpu.memref_squeeze %dma_wait3A_12 : memref<1x64xi32, #tpu.memory_space<vmem>> -> memref<64xi32, #tpu.memory_space<vmem>>
    %dma_wait3A_14 = arith.constant 0 : i32
    %dma_wait3A_15 = arith.constant 0 : i32
    %dma_wait3A_16 = tpu.memref_slice %arg4[%dma_wait3A_14, %dma_wait3A_15] : memref<16384x768xf32, #tpu.memory_space<hbm>> -> memref<16384x768xf32, #tpu.memory_space<hbm>>
    tpu.wait_indirect_dma semaphore(%arg7 : memref<!tpu.dma_semaphore, #tpu.memory_space<semaphore_mem>>) src(%arg6 : memref<64x768xf32, #tpu.memory_space<vmem>>) dst(%dma_wait3A_16 : memref<16384x768xf32, #tpu.memory_space<hbm>>)
    %add3A_17 = arith.constant 64 : i32
    %add3A_18 = arith.addi %mul3A_2, %add3A_17 : i32
    "tpu.region"() ({
      %run_scoped3A = tpu.sem_alloc : memref<!tpu.dma_semaphore, #tpu.memory_space<semaphore_mem>>
      %dma_start3A_65 = arith.constant 0 : i32
      %dma_start3A_66 = tpu.memref_slice %arg2[%add3A_18, %dma_start3A_65] : memref<8192x768xf32, #tpu.memory_space<hbm>> -> memref<64x768xf32, #tpu.memory_space<hbm>>
      %dma_start3A_67 = arith.constant 0 : i32
      %dma_start3A_68 = tpu.memref_slice %arg2[%add3A_18, %dma_start3A_67] : memref<8192x768xf32, #tpu.memory_space<hbm>> -> memref<64x768xf32, #tpu.memory_space<hbm>>
      tpu.enqueue_dma source(%dma_start3A_68 : memref<64x768xf32, #tpu.memory_space<hbm>>) target(%arg6 : memref<64x768xf32, #tpu.memory_space<vmem>>) target_semaphore(%run_scoped3A : memref<!tpu.dma_semaphore, #tpu.memory_space<semaphore_mem>>)
      %dma_wait3A_69 = arith.constant 0 : i32
      %dma_wait3A_70 = tpu.memref_slice %arg2[%add3A_18, %dma_wait3A_69] : memref<8192x768xf32, #tpu.memory_space<hbm>> -> memref<64x768xf32, #tpu.memory_space<hbm>>
      %dma_wait3A_71 = arith.constant 0 : i32
      %dma_wait3A_72 = tpu.memref_slice %arg2[%add3A_18, %dma_wait3A_71] : memref<8192x768xf32, #tpu.memory_space<hbm>> -> memref<64x768xf32, #tpu.memory_space<hbm>>
      tpu.wait_dma2 semaphore(%run_scoped3A : memref<!tpu.dma_semaphore, #tpu.memory_space<semaphore_mem>>) src(%dma_wait3A_72 : memref<64x768xf32, #tpu.memory_space<hbm>>) dst(%arg6 : memref<64x768xf32, #tpu.memory_space<vmem>>)
      tpu.yield
    }) : () -> ()
    %dma_start3A_19 = arith.constant 1 : i32
    %dma_start3A_20 = arith.constant 0 : i32
    %dma_start3A_21 = tpu.memref_slice %arg5[%dma_start3A_19, %dma_start3A_20] : memref<4x64xi32, #tpu.memory_space<vmem>> -> memref<1x64xi32, #tpu.memory_space<vmem>>
    %dma_start3A_22 = tpu.memref_squeeze %dma_start3A_21 : memref<1x64xi32, #tpu.memory_space<vmem>> -> memref<64xi32, #tpu.memory_space<vmem>>
    %dma_start3A_23 = arith.constant 0 : i32
    %dma_start3A_24 = arith.constant 0 : i32
    %dma_start3A_25 = tpu.memref_slice %arg4[%dma_start3A_23, %dma_start3A_24] : memref<16384x768xf32, #tpu.memory_space<hbm>> -> memref<16384x768xf32, #tpu.memory_space<hbm>>
    tpu.enqueue_indirect_dma source(%arg6 : memref<64x768xf32, #tpu.memory_space<vmem>>) target(%dma_start3A_25 : memref<16384x768xf32, #tpu.memory_space<hbm>>) offsets(%dma_start3A_22 : memref<64xi32, #tpu.memory_space<vmem>>) semaphore(%arg7 : memref<!tpu.dma_semaphore, #tpu.memory_space<semaphore_mem>>)
    %dma_wait3A_26 = arith.constant 1 : i32
    %dma_wait3A_27 = arith.constant 0 : i32
    %dma_wait3A_28 = tpu.memref_slice %arg5[%dma_wait3A_26, %dma_wait3A_27] : memref<4x64xi32, #tpu.memory_space<vmem>> -> memref<1x64xi32, #tpu.memory_space<vmem>>
    %dma_wait3A_29 = tpu.memref_squeeze %dma_wait3A_28 : memref<1x64xi32, #tpu.memory_space<vmem>> -> memref<64xi32, #tpu.memory_space<vmem>>
    %dma_wait3A_30 = arith.constant 0 : i32
    %dma_wait3A_31 = arith.constant 0 : i32
    %dma_wait3A_32 = tpu.memref_slice %arg4[%dma_wait3A_30, %dma_wait3A_31] : memref<16384x768xf32, #tpu.memory_space<hbm>> -> memref<16384x768xf32, #tpu.memory_space<hbm>>
    tpu.wait_indirect_dma semaphore(%arg7 : memref<!tpu.dma_semaphore, #tpu.memory_space<semaphore_mem>>) src(%arg6 : memref<64x768xf32, #tpu.memory_space<vmem>>) dst(%dma_wait3A_32 : memref<16384x768xf32, #tpu.memory_space<hbm>>)
    %add3A_33 = arith.constant 128 : i32
    %add3A_34 = arith.addi %mul3A_2, %add3A_33 : i32
    "tpu.region"() ({
      %run_scoped3A = tpu.sem_alloc : memref<!tpu.dma_semaphore, #tpu.memory_space<semaphore_mem>>
      %dma_start3A_65 = arith.constant 0 : i32
      %dma_start3A_66 = tpu.memref_slice %arg2[%add3A_34, %dma_start3A_65] : memref<8192x768xf32, #tpu.memory_space<hbm>> -> memref<64x768xf32, #tpu.memory_space<hbm>>
      %dma_start3A_67 = arith.constant 0 : i32
      %dma_start3A_68 = tpu.memref_slice %arg2[%add3A_34, %dma_start3A_67] : memref<8192x768xf32, #tpu.memory_space<hbm>> -> memref<64x768xf32, #tpu.memory_space<hbm>>
      tpu.enqueue_dma source(%dma_start3A_68 : memref<64x768xf32, #tpu.memory_space<hbm>>) target(%arg6 : memref<64x768xf32, #tpu.memory_space<vmem>>) target_semaphore(%run_scoped3A : memref<!tpu.dma_semaphore, #tpu.memory_space<semaphore_mem>>)
      %dma_wait3A_69 = arith.constant 0 : i32
      %dma_wait3A_70 = tpu.memref_slice %arg2[%add3A_34, %dma_wait3A_69] : memref<8192x768xf32, #tpu.memory_space<hbm>> -> memref<64x768xf32, #tpu.memory_space<hbm>>
      %dma_wait3A_71 = arith.constant 0 : i32
      %dma_wait3A_72 = tpu.memref_slice %arg2[%add3A_34, %dma_wait3A_71] : memref<8192x768xf32, #tpu.memory_space<hbm>> -> memref<64x768xf32, #tpu.memory_space<hbm>>
      tpu.wait_dma2 semaphore(%run_scoped3A : memref<!tpu.dma_semaphore, #tpu.memory_space<semaphore_mem>>) src(%dma_wait3A_72 : memref<64x768xf32, #tpu.memory_space<hbm>>) dst(%arg6 : memref<64x768xf32, #tpu.memory_space<vmem>>)
      tpu.yield
    }) : () -> ()
    %dma_start3A_35 = arith.constant 2 : i32
    %dma_start3A_36 = arith.constant 0 : i32
    %dma_start3A_37 = tpu.memref_slice %arg5[%dma_start3A_35, %dma_start3A_36] : memref<4x64xi32, #tpu.memory_space<vmem>> -> memref<1x64xi32, #tpu.memory_space<vmem>>
    %dma_start3A_38 = tpu.memref_squeeze %dma_start3A_37 : memref<1x64xi32, #tpu.memory_space<vmem>> -> memref<64xi32, #tpu.memory_space<vmem>>
    %dma_start3A_39 = arith.constant 0 : i32
    %dma_start3A_40 = arith.constant 0 : i32
    %dma_start3A_41 = tpu.memref_slice %arg4[%dma_start3A_39, %dma_start3A_40] : memref<16384x768xf32, #tpu.memory_space<hbm>> -> memref<16384x768xf32, #tpu.memory_space<hbm>>
    tpu.enqueue_indirect_dma source(%arg6 : memref<64x768xf32, #tpu.memory_space<vmem>>) target(%dma_start3A_41 : memref<16384x768xf32, #tpu.memory_space<hbm>>) offsets(%dma_start3A_38 : memref<64xi32, #tpu.memory_space<vmem>>) semaphore(%arg7 : memref<!tpu.dma_semaphore, #tpu.memory_space<semaphore_mem>>)
    %dma_wait3A_42 = arith.constant 2 : i32
    %dma_wait3A_43 = arith.constant 0 : i32
    %dma_wait3A_44 = tpu.memref_slice %arg5[%dma_wait3A_42, %dma_wait3A_43] : memref<4x64xi32, #tpu.memory_space<vmem>> -> memref<1x64xi32, #tpu.memory_space<vmem>>
    %dma_wait3A_45 = tpu.memref_squeeze %dma_wait3A_44 : memref<1x64xi32, #tpu.memory_space<vmem>> -> memref<64xi32, #tpu.memory_space<vmem>>
    %dma_wait3A_46 = arith.constant 0 : i32
    %dma_wait3A_47 = arith.constant 0 : i32
    %dma_wait3A_48 = tpu.memref_slice %arg4[%dma_wait3A_46, %dma_wait3A_47] : memref<16384x768xf32, #tpu.memory_space<hbm>> -> memref<16384x768xf32, #tpu.memory_space<hbm>>
    tpu.wait_indirect_dma semaphore(%arg7 : memref<!tpu.dma_semaphore, #tpu.memory_space<semaphore_mem>>) src(%arg6 : memref<64x768xf32, #tpu.memory_space<vmem>>) dst(%dma_wait3A_48 : memref<16384x768xf32, #tpu.memory_space<hbm>>)
    %add3A_49 = arith.constant 192 : i32
    %add3A_50 = arith.addi %mul3A_2, %add3A_49 : i32
    "tpu.region"() ({
      %run_scoped3A = tpu.sem_alloc : memref<!tpu.dma_semaphore, #tpu.memory_space<semaphore_mem>>
      %dma_start3A_65 = arith.constant 0 : i32
      %dma_start3A_66 = tpu.memref_slice %arg2[%add3A_50, %dma_start3A_65] : memref<8192x768xf32, #tpu.memory_space<hbm>> -> memref<64x768xf32, #tpu.memory_space<hbm>>
      %dma_start3A_67 = arith.constant 0 : i32
      %dma_start3A_68 = tpu.memref_slice %arg2[%add3A_50, %dma_start3A_67] : memref<8192x768xf32, #tpu.memory_space<hbm>> -> memref<64x768xf32, #tpu.memory_space<hbm>>
      tpu.enqueue_dma source(%dma_start3A_68 : memref<64x768xf32, #tpu.memory_space<hbm>>) target(%arg6 : memref<64x768xf32, #tpu.memory_space<vmem>>) target_semaphore(%run_scoped3A : memref<!tpu.dma_semaphore, #tpu.memory_space<semaphore_mem>>)
      %dma_wait3A_69 = arith.constant 0 : i32
      %dma_wait3A_70 = tpu.memref_slice %arg2[%add3A_50, %dma_wait3A_69] : memref<8192x768xf32, #tpu.memory_space<hbm>> -> memref<64x768xf32, #tpu.memory_space<hbm>>
      %dma_wait3A_71 = arith.constant 0 : i32
      %dma_wait3A_72 = tpu.memref_slice %arg2[%add3A_50, %dma_wait3A_71] : memref<8192x768xf32, #tpu.memory_space<hbm>> -> memref<64x768xf32, #tpu.memory_space<hbm>>
      tpu.wait_dma2 semaphore(%run_scoped3A : memref<!tpu.dma_semaphore, #tpu.memory_space<semaphore_mem>>) src(%dma_wait3A_72 : memref<64x768xf32, #tpu.memory_space<hbm>>) dst(%arg6 : memref<64x768xf32, #tpu.memory_space<vmem>>)
      tpu.yield
    }) : () -> ()
    %dma_start3A_51 = arith.constant 3 : i32
    %dma_start3A_52 = arith.constant 0 : i32
    %dma_start3A_53 = tpu.memref_slice %arg5[%dma_start3A_51, %dma_start3A_52] : memref<4x64xi32, #tpu.memory_space<vmem>> -> memref<1x64xi32, #tpu.memory_space<vmem>>
    %dma_start3A_54 = tpu.memref_squeeze %dma_start3A_53 : memref<1x64xi32, #tpu.memory_space<vmem>> -> memref<64xi32, #tpu.memory_space<vmem>>
    %dma_start3A_55 = arith.constant 0 : i32
    %dma_start3A_56 = arith.constant 0 : i32
    %dma_start3A_57 = tpu.memref_slice %arg4[%dma_start3A_55, %dma_start3A_56] : memref<16384x768xf32, #tpu.memory_space<hbm>> -> memref<16384x768xf32, #tpu.memory_space<hbm>>
    tpu.enqueue_indirect_dma source(%arg6 : memref<64x768xf32, #tpu.memory_space<vmem>>) target(%dma_start3A_57 : memref<16384x768xf32, #tpu.memory_space<hbm>>) offsets(%dma_start3A_54 : memref<64xi32, #tpu.memory_space<vmem>>) semaphore(%arg7 : memref<!tpu.dma_semaphore, #tpu.memory_space<semaphore_mem>>)
    %dma_wait3A_58 = arith.constant 3 : i32
    %dma_wait3A_59 = arith.constant 0 : i32
    %dma_wait3A_60 = tpu.memref_slice %arg5[%dma_wait3A_58, %dma_wait3A_59] : memref<4x64xi32, #tpu.memory_space<vmem>> -> memref<1x64xi32, #tpu.memory_space<vmem>>
    %dma_wait3A_61 = tpu.memref_squeeze %dma_wait3A_60 : memref<1x64xi32, #tpu.memory_space<vmem>> -> memref<64xi32, #tpu.memory_space<vmem>>
    %dma_wait3A_62 = arith.constant 0 : i32
    %dma_wait3A_63 = arith.constant 0 : i32
    %dma_wait3A_64 = tpu.memref_slice %arg4[%dma_wait3A_62, %dma_wait3A_63] : memref<16384x768xf32, #tpu.memory_space<hbm>> -> memref<16384x768xf32, #tpu.memory_space<hbm>>
    tpu.wait_indirect_dma semaphore(%arg7 : memref<!tpu.dma_semaphore, #tpu.memory_space<semaphore_mem>>) src(%arg6 : memref<64x768xf32, #tpu.memory_space<vmem>>) dst(%dma_wait3A_64 : memref<16384x768xf32, #tpu.memory_space<hbm>>)
    return
  }
}

#map = affine_map<(d0, d1) -> (0, 0)>
#map1 = affine_map<(d0, d1) -> (0)>
module attributes {stable_mosaic.version = 14 : i64} {
  func.func @k(%arg0: i32, %arg1: i32, %arg2: memref<16384x768xf32, #tpu.memory_space<hbm>>, %arg3: memref<8192xi32, #tpu.memory_space<hbm>>, %arg4: memref<8192x768xf32, #tpu.memory_space<hbm>>, %arg5: memref<256xi32, #tpu.memory_space<vmem>>, %arg6: memref<64x768xf32, #tpu.memory_space<vmem>>, %arg7: memref<!tpu.dma_semaphore, #tpu.memory_space<semaphore_mem>>) attributes {dimension_semantics = [#tpu.dimension_semantics<core_parallel>, #tpu.dimension_semantics<subcore_parallel>], iteration_bounds = array<i64: 2, 16>, scalar_prefetch = 0 : i64, scratch_operands = 3 : i64, tpu.core_type = #tpu.core_type<sc_vector_subcore>, window_params = [{transform_indices = #map}, {transform_indices = #map1}, {transform_indices = #map}]} {
    %mul3A = arith.constant 2 : i32
    %mul3A_0 = arith.muli %arg1, %mul3A : i32
    %add3A = arith.addi %mul3A_0, %arg0 : i32
    %mul3A_1 = arith.constant 256 : i32
    %mul3A_2 = arith.muli %add3A, %mul3A_1 : i32
    "tpu.region"() ({
      %run_scoped3A = tpu.sem_alloc : memref<!tpu.dma_semaphore, #tpu.memory_space<semaphore_mem>>
      %dma_start3A_49 = tpu.memref_slice %arg3[%mul3A_2] : memref<8192xi32, #tpu.memory_space<hbm>> -> memref<256xi32, #tpu.memory_space<hbm>>
      %dma_start3A_50 = tpu.memref_slice %arg3[%mul3A_2] : memref<8192xi32, #tpu.memory_space<hbm>> -> memref<256xi32, #tpu.memory_space<hbm>>
      tpu.enqueue_dma source(%dma_start3A_50 : memref<256xi32, #tpu.memory_space<hbm>>) target(%arg5 : memref<256xi32, #tpu.memory_space<vmem>>) target_semaphore(%run_scoped3A : memref<!tpu.dma_semaphore, #tpu.memory_space<semaphore_mem>>)
      %dma_wait3A_51 = tpu.memref_slice %arg3[%mul3A_2] : memref<8192xi32, #tpu.memory_space<hbm>> -> memref<256xi32, #tpu.memory_space<hbm>>
      %dma_wait3A_52 = tpu.memref_slice %arg3[%mul3A_2] : memref<8192xi32, #tpu.memory_space<hbm>> -> memref<256xi32, #tpu.memory_space<hbm>>
      tpu.wait_dma2 semaphore(%run_scoped3A : memref<!tpu.dma_semaphore, #tpu.memory_space<semaphore_mem>>) src(%dma_wait3A_52 : memref<256xi32, #tpu.memory_space<hbm>>) dst(%arg5 : memref<256xi32, #tpu.memory_space<vmem>>)
      tpu.yield
    }) : () -> ()
    %dma_start3A = arith.constant 0 : i32
    %dma_start3A_3 = tpu.memref_slice %arg5[%dma_start3A] : memref<256xi32, #tpu.memory_space<vmem>> -> memref<64xi32, #tpu.memory_space<vmem>>
    %dma_start3A_4 = arith.constant 0 : i32
    %dma_start3A_5 = arith.constant 0 : i32
    %dma_start3A_6 = tpu.memref_slice %arg2[%dma_start3A_4, %dma_start3A_5] : memref<16384x768xf32, #tpu.memory_space<hbm>> -> memref<16384x768xf32, #tpu.memory_space<hbm>>
    tpu.enqueue_indirect_dma source(%dma_start3A_6 : memref<16384x768xf32, #tpu.memory_space<hbm>>) target(%arg6 : memref<64x768xf32, #tpu.memory_space<vmem>>) offsets(%dma_start3A_3 : memref<64xi32, #tpu.memory_space<vmem>>) semaphore(%arg7 : memref<!tpu.dma_semaphore, #tpu.memory_space<semaphore_mem>>)
    %dma_wait3A = arith.constant 0 : i32
    %dma_wait3A_7 = tpu.memref_slice %arg5[%dma_wait3A] : memref<256xi32, #tpu.memory_space<vmem>> -> memref<64xi32, #tpu.memory_space<vmem>>
    %dma_wait3A_8 = arith.constant 0 : i32
    %dma_wait3A_9 = arith.constant 0 : i32
    %dma_wait3A_10 = tpu.memref_slice %arg2[%dma_wait3A_8, %dma_wait3A_9] : memref<16384x768xf32, #tpu.memory_space<hbm>> -> memref<16384x768xf32, #tpu.memory_space<hbm>>
    tpu.wait_indirect_dma semaphore(%arg7 : memref<!tpu.dma_semaphore, #tpu.memory_space<semaphore_mem>>) src(%dma_wait3A_10 : memref<16384x768xf32, #tpu.memory_space<hbm>>) dst(%arg6 : memref<64x768xf32, #tpu.memory_space<vmem>>)
    %add3A_11 = arith.constant 0 : i32
    %add3A_12 = arith.addi %mul3A_2, %add3A_11 : i32
    "tpu.region"() ({
      %run_scoped3A = tpu.sem_alloc : memref<!tpu.dma_semaphore, #tpu.memory_space<semaphore_mem>>
      %dma_start3A_49 = arith.constant 0 : i32
      %dma_start3A_50 = tpu.memref_slice %arg4[%add3A_12, %dma_start3A_49] : memref<8192x768xf32, #tpu.memory_space<hbm>> -> memref<64x768xf32, #tpu.memory_space<hbm>>
      %dma_start3A_51 = arith.constant 0 : i32
      %dma_start3A_52 = tpu.memref_slice %arg4[%add3A_12, %dma_start3A_51] : memref<8192x768xf32, #tpu.memory_space<hbm>> -> memref<64x768xf32, #tpu.memory_space<hbm>>
      tpu.enqueue_dma source(%arg6 : memref<64x768xf32, #tpu.memory_space<vmem>>) target(%dma_start3A_52 : memref<64x768xf32, #tpu.memory_space<hbm>>) target_semaphore(%run_scoped3A : memref<!tpu.dma_semaphore, #tpu.memory_space<semaphore_mem>>)
      %dma_wait3A_53 = arith.constant 0 : i32
      %dma_wait3A_54 = tpu.memref_slice %arg4[%add3A_12, %dma_wait3A_53] : memref<8192x768xf32, #tpu.memory_space<hbm>> -> memref<64x768xf32, #tpu.memory_space<hbm>>
      %dma_wait3A_55 = arith.constant 0 : i32
      %dma_wait3A_56 = tpu.memref_slice %arg4[%add3A_12, %dma_wait3A_55] : memref<8192x768xf32, #tpu.memory_space<hbm>> -> memref<64x768xf32, #tpu.memory_space<hbm>>
      tpu.wait_dma2 semaphore(%run_scoped3A : memref<!tpu.dma_semaphore, #tpu.memory_space<semaphore_mem>>) src(%arg6 : memref<64x768xf32, #tpu.memory_space<vmem>>) dst(%dma_wait3A_56 : memref<64x768xf32, #tpu.memory_space<hbm>>)
      tpu.yield
    }) : () -> ()
    %dma_start3A_13 = arith.constant 64 : i32
    %dma_start3A_14 = tpu.memref_slice %arg5[%dma_start3A_13] : memref<256xi32, #tpu.memory_space<vmem>> -> memref<64xi32, #tpu.memory_space<vmem>>
    %dma_start3A_15 = arith.constant 0 : i32
    %dma_start3A_16 = arith.constant 0 : i32
    %dma_start3A_17 = tpu.memref_slice %arg2[%dma_start3A_15, %dma_start3A_16] : memref<16384x768xf32, #tpu.memory_space<hbm>> -> memref<16384x768xf32, #tpu.memory_space<hbm>>
    tpu.enqueue_indirect_dma source(%dma_start3A_17 : memref<16384x768xf32, #tpu.memory_space<hbm>>) target(%arg6 : memref<64x768xf32, #tpu.memory_space<vmem>>) offsets(%dma_start3A_14 : memref<64xi32, #tpu.memory_space<vmem>>) semaphore(%arg7 : memref<!tpu.dma_semaphore, #tpu.memory_space<semaphore_mem>>)
    %dma_wait3A_18 = arith.constant 64 : i32
    %dma_wait3A_19 = tpu.memref_slice %arg5[%dma_wait3A_18] : memref<256xi32, #tpu.memory_space<vmem>> -> memref<64xi32, #tpu.memory_space<vmem>>
    %dma_wait3A_20 = arith.constant 0 : i32
    %dma_wait3A_21 = arith.constant 0 : i32
    %dma_wait3A_22 = tpu.memref_slice %arg2[%dma_wait3A_20, %dma_wait3A_21] : memref<16384x768xf32, #tpu.memory_space<hbm>> -> memref<16384x768xf32, #tpu.memory_space<hbm>>
    tpu.wait_indirect_dma semaphore(%arg7 : memref<!tpu.dma_semaphore, #tpu.memory_space<semaphore_mem>>) src(%dma_wait3A_22 : memref<16384x768xf32, #tpu.memory_space<hbm>>) dst(%arg6 : memref<64x768xf32, #tpu.memory_space<vmem>>)
    %add3A_23 = arith.constant 64 : i32
    %add3A_24 = arith.addi %mul3A_2, %add3A_23 : i32
    "tpu.region"() ({
      %run_scoped3A = tpu.sem_alloc : memref<!tpu.dma_semaphore, #tpu.memory_space<semaphore_mem>>
      %dma_start3A_49 = arith.constant 0 : i32
      %dma_start3A_50 = tpu.memref_slice %arg4[%add3A_24, %dma_start3A_49] : memref<8192x768xf32, #tpu.memory_space<hbm>> -> memref<64x768xf32, #tpu.memory_space<hbm>>
      %dma_start3A_51 = arith.constant 0 : i32
      %dma_start3A_52 = tpu.memref_slice %arg4[%add3A_24, %dma_start3A_51] : memref<8192x768xf32, #tpu.memory_space<hbm>> -> memref<64x768xf32, #tpu.memory_space<hbm>>
      tpu.enqueue_dma source(%arg6 : memref<64x768xf32, #tpu.memory_space<vmem>>) target(%dma_start3A_52 : memref<64x768xf32, #tpu.memory_space<hbm>>) target_semaphore(%run_scoped3A : memref<!tpu.dma_semaphore, #tpu.memory_space<semaphore_mem>>)
      %dma_wait3A_53 = arith.constant 0 : i32
      %dma_wait3A_54 = tpu.memref_slice %arg4[%add3A_24, %dma_wait3A_53] : memref<8192x768xf32, #tpu.memory_space<hbm>> -> memref<64x768xf32, #tpu.memory_space<hbm>>
      %dma_wait3A_55 = arith.constant 0 : i32
      %dma_wait3A_56 = tpu.memref_slice %arg4[%add3A_24, %dma_wait3A_55] : memref<8192x768xf32, #tpu.memory_space<hbm>> -> memref<64x768xf32, #tpu.memory_space<hbm>>
      tpu.wait_dma2 semaphore(%run_scoped3A : memref<!tpu.dma_semaphore, #tpu.memory_space<semaphore_mem>>) src(%arg6 : memref<64x768xf32, #tpu.memory_space<vmem>>) dst(%dma_wait3A_56 : memref<64x768xf32, #tpu.memory_space<hbm>>)
      tpu.yield
    }) : () -> ()
    %dma_start3A_25 = arith.constant 128 : i32
    %dma_start3A_26 = tpu.memref_slice %arg5[%dma_start3A_25] : memref<256xi32, #tpu.memory_space<vmem>> -> memref<64xi32, #tpu.memory_space<vmem>>
    %dma_start3A_27 = arith.constant 0 : i32
    %dma_start3A_28 = arith.constant 0 : i32
    %dma_start3A_29 = tpu.memref_slice %arg2[%dma_start3A_27, %dma_start3A_28] : memref<16384x768xf32, #tpu.memory_space<hbm>> -> memref<16384x768xf32, #tpu.memory_space<hbm>>
    tpu.enqueue_indirect_dma source(%dma_start3A_29 : memref<16384x768xf32, #tpu.memory_space<hbm>>) target(%arg6 : memref<64x768xf32, #tpu.memory_space<vmem>>) offsets(%dma_start3A_26 : memref<64xi32, #tpu.memory_space<vmem>>) semaphore(%arg7 : memref<!tpu.dma_semaphore, #tpu.memory_space<semaphore_mem>>)
    %dma_wait3A_30 = arith.constant 128 : i32
    %dma_wait3A_31 = tpu.memref_slice %arg5[%dma_wait3A_30] : memref<256xi32, #tpu.memory_space<vmem>> -> memref<64xi32, #tpu.memory_space<vmem>>
    %dma_wait3A_32 = arith.constant 0 : i32
    %dma_wait3A_33 = arith.constant 0 : i32
    %dma_wait3A_34 = tpu.memref_slice %arg2[%dma_wait3A_32, %dma_wait3A_33] : memref<16384x768xf32, #tpu.memory_space<hbm>> -> memref<16384x768xf32, #tpu.memory_space<hbm>>
    tpu.wait_indirect_dma semaphore(%arg7 : memref<!tpu.dma_semaphore, #tpu.memory_space<semaphore_mem>>) src(%dma_wait3A_34 : memref<16384x768xf32, #tpu.memory_space<hbm>>) dst(%arg6 : memref<64x768xf32, #tpu.memory_space<vmem>>)
    %add3A_35 = arith.constant 128 : i32
    %add3A_36 = arith.addi %mul3A_2, %add3A_35 : i32
    "tpu.region"() ({
      %run_scoped3A = tpu.sem_alloc : memref<!tpu.dma_semaphore, #tpu.memory_space<semaphore_mem>>
      %dma_start3A_49 = arith.constant 0 : i32
      %dma_start3A_50 = tpu.memref_slice %arg4[%add3A_36, %dma_start3A_49] : memref<8192x768xf32, #tpu.memory_space<hbm>> -> memref<64x768xf32, #tpu.memory_space<hbm>>
      %dma_start3A_51 = arith.constant 0 : i32
      %dma_start3A_52 = tpu.memref_slice %arg4[%add3A_36, %dma_start3A_51] : memref<8192x768xf32, #tpu.memory_space<hbm>> -> memref<64x768xf32, #tpu.memory_space<hbm>>
      tpu.enqueue_dma source(%arg6 : memref<64x768xf32, #tpu.memory_space<vmem>>) target(%dma_start3A_52 : memref<64x768xf32, #tpu.memory_space<hbm>>) target_semaphore(%run_scoped3A : memref<!tpu.dma_semaphore, #tpu.memory_space<semaphore_mem>>)
      %dma_wait3A_53 = arith.constant 0 : i32
      %dma_wait3A_54 = tpu.memref_slice %arg4[%add3A_36, %dma_wait3A_53] : memref<8192x768xf32, #tpu.memory_space<hbm>> -> memref<64x768xf32, #tpu.memory_space<hbm>>
      %dma_wait3A_55 = arith.constant 0 : i32
      %dma_wait3A_56 = tpu.memref_slice %arg4[%add3A_36, %dma_wait3A_55] : memref<8192x768xf32, #tpu.memory_space<hbm>> -> memref<64x768xf32, #tpu.memory_space<hbm>>
      tpu.wait_dma2 semaphore(%run_scoped3A : memref<!tpu.dma_semaphore, #tpu.memory_space<semaphore_mem>>) src(%arg6 : memref<64x768xf32, #tpu.memory_space<vmem>>) dst(%dma_wait3A_56 : memref<64x768xf32, #tpu.memory_space<hbm>>)
      tpu.yield
    }) : () -> ()
    %dma_start3A_37 = arith.constant 192 : i32
    %dma_start3A_38 = tpu.memref_slice %arg5[%dma_start3A_37] : memref<256xi32, #tpu.memory_space<vmem>> -> memref<64xi32, #tpu.memory_space<vmem>>
    %dma_start3A_39 = arith.constant 0 : i32
    %dma_start3A_40 = arith.constant 0 : i32
    %dma_start3A_41 = tpu.memref_slice %arg2[%dma_start3A_39, %dma_start3A_40] : memref<16384x768xf32, #tpu.memory_space<hbm>> -> memref<16384x768xf32, #tpu.memory_space<hbm>>
    tpu.enqueue_indirect_dma source(%dma_start3A_41 : memref<16384x768xf32, #tpu.memory_space<hbm>>) target(%arg6 : memref<64x768xf32, #tpu.memory_space<vmem>>) offsets(%dma_start3A_38 : memref<64xi32, #tpu.memory_space<vmem>>) semaphore(%arg7 : memref<!tpu.dma_semaphore, #tpu.memory_space<semaphore_mem>>)
    %dma_wait3A_42 = arith.constant 192 : i32
    %dma_wait3A_43 = tpu.memref_slice %arg5[%dma_wait3A_42] : memref<256xi32, #tpu.memory_space<vmem>> -> memref<64xi32, #tpu.memory_space<vmem>>
    %dma_wait3A_44 = arith.constant 0 : i32
    %dma_wait3A_45 = arith.constant 0 : i32
    %dma_wait3A_46 = tpu.memref_slice %arg2[%dma_wait3A_44, %dma_wait3A_45] : memref<16384x768xf32, #tpu.memory_space<hbm>> -> memref<16384x768xf32, #tpu.memory_space<hbm>>
    tpu.wait_indirect_dma semaphore(%arg7 : memref<!tpu.dma_semaphore, #tpu.memory_space<semaphore_mem>>) src(%dma_wait3A_46 : memref<16384x768xf32, #tpu.memory_space<hbm>>) dst(%arg6 : memref<64x768xf32, #tpu.memory_space<vmem>>)
    %add3A_47 = arith.constant 192 : i32
    %add3A_48 = arith.addi %mul3A_2, %add3A_47 : i32
    "tpu.region"() ({
      %run_scoped3A = tpu.sem_alloc : memref<!tpu.dma_semaphore, #tpu.memory_space<semaphore_mem>>
      %dma_start3A_49 = arith.constant 0 : i32
      %dma_start3A_50 = tpu.memref_slice %arg4[%add3A_48, %dma_start3A_49] : memref<8192x768xf32, #tpu.memory_space<hbm>> -> memref<64x768xf32, #tpu.memory_space<hbm>>
      %dma_start3A_51 = arith.constant 0 : i32
      %dma_start3A_52 = tpu.memref_slice %arg4[%add3A_48, %dma_start3A_51] : memref<8192x768xf32, #tpu.memory_space<hbm>> -> memref<64x768xf32, #tpu.memory_space<hbm>>
      tpu.enqueue_dma source(%arg6 : memref<64x768xf32, #tpu.memory_space<vmem>>) target(%dma_start3A_52 : memref<64x768xf32, #tpu.memory_space<hbm>>) target_semaphore(%run_scoped3A : memref<!tpu.dma_semaphore, #tpu.memory_space<semaphore_mem>>)
      %dma_wait3A_53 = arith.constant 0 : i32
      %dma_wait3A_54 = tpu.memref_slice %arg4[%add3A_48, %dma_wait3A_53] : memref<8192x768xf32, #tpu.memory_space<hbm>> -> memref<64x768xf32, #tpu.memory_space<hbm>>
      %dma_wait3A_55 = arith.constant 0 : i32
      %dma_wait3A_56 = tpu.memref_slice %arg4[%add3A_48, %dma_wait3A_55] : memref<8192x768xf32, #tpu.memory_space<hbm>> -> memref<64x768xf32, #tpu.memory_space<hbm>>
      tpu.wait_dma2 semaphore(%run_scoped3A : memref<!tpu.dma_semaphore, #tpu.memory_space<semaphore_mem>>) src(%arg6 : memref<64x768xf32, #tpu.memory_space<vmem>>) dst(%dma_wait3A_56 : memref<64x768xf32, #tpu.memory_space<hbm>>)
      tpu.yield
    }) : () -> ()
    return
  }
}

module attributes {stable_mosaic.version = 14 : i64} {
  func.func @_gate_route_body(%arg0: i32, %arg1: memref<1024x768xf32, #tpu.memory_space<vmem>>, %arg2: memref<768x64xf32, #tpu.memory_space<vmem>>, %arg3: memref<1x64xf32, #tpu.memory_space<vmem>>, %arg4: memref<1024x1xi32, #tpu.memory_space<vmem>>, %arg5: memref<128x1xi32, #tpu.memory_space<vmem>>, %arg6: memref<128x1xi32, #tpu.memory_space<vmem>>, %arg7: memref<1x1xf32, #tpu.memory_space<vmem>>, %arg8: memref<8192x1xi32, #tpu.memory_space<vmem>>, %arg9: memref<8192x1xi32, #tpu.memory_space<vmem>>, %arg10: memref<8x64xf32, #tpu.memory_space<vmem>>, %arg11: memref<8x64xf32, #tpu.memory_space<vmem>>) attributes {dimension_semantics = [#tpu.dimension_semantics<arbitrary>], iteration_bounds = array<i64: 16>, scalar_prefetch = 0 : i64, scratch_operands = 4 : i64, tpu.core_type = #tpu.core_type<tc>, window_params = [{transform_indices = @transform_0, window_bounds = array<i64: 1024, 768>}, {pipeline_mode = #tpu.pipeline_mode<synchronous>, transform_indices = @transform_1, window_bounds = array<i64: 768, 64>}, {pipeline_mode = #tpu.pipeline_mode<synchronous>, transform_indices = @transform_2, window_bounds = array<i64: 1, 64>}, {transform_indices = @transform_3, window_bounds = array<i64: 1024, 1>}, {pipeline_mode = #tpu.pipeline_mode<synchronous>, transform_indices = @transform_4, window_bounds = array<i64: 128, 1>}, {pipeline_mode = #tpu.pipeline_mode<synchronous>, transform_indices = @transform_5, window_bounds = array<i64: 128, 1>}, {pipeline_mode = #tpu.pipeline_mode<synchronous>, transform_indices = @transform_6, window_bounds = array<i64: 1, 1>}]} {
    %lt3A = arith.constant 8 : i32
    %lt3A_0 = arith.cmpi slt, %arg0, %lt3A : i32
    %convert_element_type3A = arith.extui %lt3A_0 : i1 to i32
    %cond3A = arith.constant 0 : i32
    %cond3A_1 = arith.cmpi ne, %convert_element_type3A, %cond3A : i32
    scf.if %cond3A_1 {
      %get3A = arith.constant 0 : index
      %get3A_6 = arith.constant 0 : index
      %get3A_7 = vector.load %arg1[%get3A, %get3A_6] : memref<1024x768xf32, #tpu.memory_space<vmem>>, vector<1024x768xf32>
      %get3A_8 = arith.constant 0 : index
      %get3A_9 = arith.constant 0 : index
      %get3A_10 = vector.load %arg2[%get3A_8, %get3A_9] : memref<768x64xf32, #tpu.memory_space<vmem>>, vector<768x64xf32>
      %dot_general3A = arith.constant dense<0.000000e+00> : vector<1024x64xf32>
      %dot_general3A_11 = tpu.matmul %get3A_7, %get3A_10, %dot_general3A {dimension_numbers = #tpu.dot_dimension_numbers<[1], [0], [0], [1], [0, 0, 1, 1], [], []>, transpose_lhs_hint = false} : vector<1024x768xf32>, vector<768x64xf32>, vector<1024x64xf32> -> vector<1024x64xf32>
      %get3A_12 = arith.constant 0 : index
      %get3A_13 = arith.constant 0 : index
      %get3A_14 = vector.load %arg3[%get3A_12, %get3A_13] : memref<1x64xf32, #tpu.memory_space<vmem>>, vector<1x64xf32>
      %add3A = vector.broadcast %get3A_14 : vector<1x64xf32> to vector<1024x64xf32>
      %add3A_15 = arith.addf %dot_general3A_11, %add3A : vector<1024x64xf32>
      %reduce_max3A = arith.constant dense<0xFF800000> : vector<1024xf32>
      %reduce_max3A_16 = vector.multi_reduction <maximumf>, %add3A_15, %reduce_max3A [1] : vector<1024x64xf32> to vector<1024xf32>
      %broadcast_in_dim3A = vector.shape_cast %reduce_max3A_16 : vector<1024xf32> to vector<1024x1xf32>
      %sub3A = vector.broadcast %broadcast_in_dim3A : vector<1024x1xf32> to vector<1024x64xf32>
      %sub3A_17 = arith.subf %add3A_15, %sub3A : vector<1024x64xf32>
      %exp3A = math.exp %sub3A_17 : vector<1024x64xf32>
      %reduce_sum3A = arith.constant dense<0.000000e+00> : vector<1024xf32>
      %reduce_sum3A_18 = vector.multi_reduction <add>, %exp3A, %reduce_sum3A [1] : vector<1024x64xf32> to vector<1024xf32>
      %broadcast_in_dim3A_19 = vector.shape_cast %reduce_sum3A_18 : vector<1024xf32> to vector<1024x1xf32>
      %div3A = vector.broadcast %broadcast_in_dim3A_19 : vector<1024x1xf32> to vector<1024x64xf32>
      %div3A_20 = arith.divf %exp3A, %div3A : vector<1024x64xf32>
      %iota3A = tpu.iota {dimensions = array<i32: 1>} : vector<1024x64xi32>
      %eq3A = vector.broadcast %broadcast_in_dim3A : vector<1024x1xf32> to vector<1024x64xf32>
      %eq3A_21 = arith.cmpf oeq, %add3A_15, %eq3A : vector<1024x64xf32>
      %jit3A = arith.constant 64 : i32
      %broadcast_in_dim3A_22 = vector.broadcast %jit3A : i32 to vector<1024x64xi32>
      %select_n3A = arith.select %eq3A_21, %iota3A, %broadcast_in_dim3A_22 : vector<1024x64xi1>, vector<1024x64xi32>
      %reduce_min3A = arith.constant dense<2147483647> : vector<1024xi32>
      %reduce_min3A_23 = vector.multi_reduction <minsi>, %select_n3A, %reduce_min3A [1] : vector<1024x64xi32> to vector<1024xi32>
      %broadcast_in_dim3A_24 = vector.shape_cast %reduce_min3A_23 : vector<1024xi32> to vector<1024x1xi32>
      %mul3A = arith.constant 1024 : i32
      %mul3A_25 = arith.muli %arg0, %mul3A : i32
      %swap3A = arith.index_cast %mul3A_25 : i32 to index
      %swap3A_26 = arith.constant 0 : index
      %swap3A_27 = vector.load %arg8[%swap3A, %swap3A_26] : memref<8192x1xi32, #tpu.memory_space<vmem>>, vector<1024x1xi32>
      tpu.vector_store %arg8[%swap3A, %swap3A_26], %broadcast_in_dim3A_24 {strides = array<i32>} : memref<8192x1xi32, #tpu.memory_space<vmem>>, vector<1024x1xi32>,
      %reduce_sum3A_28 = arith.constant dense<0.000000e+00> : vector<64xf32>
      %reduce_sum3A_29 = vector.multi_reduction <add>, %div3A_20, %reduce_sum3A_28 [0] : vector<1024x64xf32> to vector<64xf32>
      %broadcast_in_dim3A_30 = vector.shape_cast %reduce_sum3A_29 : vector<64xf32> to vector<1x64xf32>
      %swap3A_31 = arith.index_cast %arg0 : i32 to index
      %swap3A_32 = arith.constant 0 : index
      %swap3A_33 = vector.load %arg11[%swap3A_31, %swap3A_32] : memref<8x64xf32, #tpu.memory_space<vmem>>, vector<1x64xf32>
      tpu.vector_store %arg11[%swap3A_31, %swap3A_32], %broadcast_in_dim3A_30 {strides = array<i32>} : memref<8x64xf32, #tpu.memory_space<vmem>>, vector<1x64xf32>,
      %eq3A_34 = vector.broadcast %broadcast_in_dim3A_24 : vector<1024x1xi32> to vector<1024x64xi32>
      %eq3A_35 = arith.cmpi eq, %iota3A, %eq3A_34 : vector<1024x64xi32>
      %convert_element_type3A_36 = arith.extui %eq3A_35 : vector<1024x64xi1> to vector<1024x64xi32>
      %convert_element_type3A_37 = arith.sitofp %convert_element_type3A_36 : vector<1024x64xi32> to vector<1024x64xf32>
      %reduce_sum3A_38 = arith.constant dense<0.000000e+00> : vector<64xf32>
      %reduce_sum3A_39 = vector.multi_reduction <add>, %convert_element_type3A_37, %reduce_sum3A_38 [0] : vector<1024x64xf32> to vector<64xf32>
      %broadcast_in_dim3A_40 = vector.shape_cast %reduce_sum3A_39 : vector<64xf32> to vector<1x64xf32>
      %swap3A_41 = arith.index_cast %arg0 : i32 to index
      %swap3A_42 = arith.constant 0 : index
      %swap3A_43 = vector.load %arg10[%swap3A_41, %swap3A_42] : memref<8x64xf32, #tpu.memory_space<vmem>>, vector<1x64xf32>
      tpu.vector_store %arg10[%swap3A_41, %swap3A_42], %broadcast_in_dim3A_40 {strides = array<i32>} : memref<8x64xf32, #tpu.memory_space<vmem>>, vector<1x64xf32>,
      %iota3A_44 = tpu.iota {dimensions = array<i32: 0>} : vector<1024x1024xi32>
      %iota3A_45 = tpu.iota {dimensions = array<i32: 1>} : vector<1024x1024xi32>
      %gt3A = arith.cmpi sgt, %iota3A_44, %iota3A_45 : vector<1024x1024xi32>
      %convert_element_type3A_46 = arith.extui %gt3A : vector<1024x1024xi1> to vector<1024x1024xi32>
      %convert_element_type3A_47 = arith.sitofp %convert_element_type3A_46 : vector<1024x1024xi32> to vector<1024x1024xf32>
      %dot_general3A_48 = arith.constant dense<0.000000e+00> : vector<1024x64xf32>
      %dot_general3A_49 = tpu.matmul %convert_element_type3A_47, %convert_element_type3A_37, %dot_general3A_48 {dimension_numbers = #tpu.dot_dimension_numbers<[1], [0], [0], [1], [0, 0, 1, 1], [], []>, transpose_lhs_hint = false} : vector<1024x1024xf32>, vector<1024x64xf32>, vector<1024x64xf32> -> vector<1024x64xf32>
      %mul3A_50 = arith.mulf %dot_general3A_49, %convert_element_type3A_37 : vector<1024x64xf32>
      %reduce_sum3A_51 = arith.constant dense<0.000000e+00> : vector<1024xf32>
      %reduce_sum3A_52 = vector.multi_reduction <add>, %mul3A_50, %reduce_sum3A_51 [1] : vector<1024x64xf32> to vector<1024xf32>
      %broadcast_in_dim3A_53 = vector.shape_cast %reduce_sum3A_52 : vector<1024xf32> to vector<1024x1xf32>
      %convert_element_type3A_54 = arith.fptosi %broadcast_in_dim3A_53 : vector<1024x1xf32> to vector<1024x1xi32>
      %mul3A_55 = arith.constant 1024 : i32
      %mul3A_56 = arith.muli %arg0, %mul3A_55 : i32
      %swap3A_57 = arith.index_cast %mul3A_56 : i32 to index
      %swap3A_58 = arith.constant 0 : index
      %swap3A_59 = vector.load %arg9[%swap3A_57, %swap3A_58] : memref<8192x1xi32, #tpu.memory_space<vmem>>, vector<1024x1xi32>
      tpu.vector_store %arg9[%swap3A_57, %swap3A_58], %convert_element_type3A_54 {strides = array<i32>} : memref<8192x1xi32, #tpu.memory_space<vmem>>, vector<1024x1xi32>,
    } else {
    }
    %ge3A = arith.constant 8 : i32
    %ge3A_2 = arith.cmpi sge, %arg0, %ge3A : i32
    %convert_element_type3A_3 = arith.extui %ge3A_2 : i1 to i32
    %cond3A_4 = arith.constant 0 : i32
    %cond3A_5 = arith.cmpi ne, %convert_element_type3A_3, %cond3A_4 : i32
    scf.if %cond3A_5 {
      %sub3A = arith.constant 8 : i32
      %sub3A_6 = arith.subi %arg0, %sub3A : i32
      %get3A = arith.constant 0 : index
      %get3A_7 = arith.constant 0 : index
      %get3A_8 = vector.load %arg10[%get3A, %get3A_7] : memref<8x64xf32, #tpu.memory_space<vmem>>, vector<8x64xf32>
      %reduce_sum3A = arith.constant dense<0.000000e+00> : vector<64xf32>
      %reduce_sum3A_9 = vector.multi_reduction <add>, %get3A_8, %reduce_sum3A [0] : vector<8x64xf32> to vector<64xf32>
      %broadcast_in_dim3A = vector.shape_cast %reduce_sum3A_9 : vector<64xf32> to vector<1x64xf32>
      %add3A = arith.constant 1.270000e+02 : f32
      %add3A_10 = vector.broadcast %add3A : f32 to vector<1x64xf32>
      %add3A_11 = arith.addf %broadcast_in_dim3A, %add3A_10 : vector<1x64xf32>
      %mul3A = arith.constant 7.812500e-03 : f32
      %mul3A_12 = vector.broadcast %mul3A : f32 to vector<1x64xf32>
      %mul3A_13 = arith.mulf %add3A_11, %mul3A_12 : vector<1x64xf32>
      %floor3A = math.floor %mul3A_13 : vector<1x64xf32>
      %iota3A = tpu.iota {dimensions = array<i32: 0>} : vector<64x64xi32>
      %iota3A_14 = tpu.iota {dimensions = array<i32: 1>} : vector<64x64xi32>
      %le3A = arith.cmpi sle, %iota3A, %iota3A_14 : vector<64x64xi32>
      %convert_element_type3A_15 = arith.extui %le3A : vector<64x64xi1> to vector<64x64xi32>
      %convert_element_type3A_16 = arith.sitofp %convert_element_type3A_15 : vector<64x64xi32> to vector<64x64xf32>
      %dot_general3A = arith.constant dense<0.000000e+00> : vector<1x64xf32>
      %dot_general3A_17 = tpu.matmul %floor3A, %convert_element_type3A_16, %dot_general3A {dimension_numbers = #tpu.dot_dimension_numbers<[1], [0], [0], [1], [0, 0, 1, 1], [], []>, transpose_lhs_hint = false} : vector<1x64xf32>, vector<64x64xf32>, vector<1x64xf32> -> vector<1x64xf32>
      %sub3A_18 = arith.subf %dot_general3A_17, %floor3A : vector<1x64xf32>
      %mul3A_19 = arith.constant 1.280000e+02 : f32
      %mul3A_20 = vector.broadcast %mul3A_19 : f32 to vector<1x64xf32>
      %mul3A_21 = arith.mulf %sub3A_18, %mul3A_20 : vector<1x64xf32>
      %iota3A_22 = tpu.iota {dimensions = array<i32: 0>} : vector<8x8xi32>
      %iota3A_23 = tpu.iota {dimensions = array<i32: 1>} : vector<8x8xi32>
      %gt3A = arith.cmpi sgt, %iota3A_22, %iota3A_23 : vector<8x8xi32>
      %convert_element_type3A_24 = arith.extui %gt3A : vector<8x8xi1> to vector<8x8xi32>
      %convert_element_type3A_25 = arith.sitofp %convert_element_type3A_24 : vector<8x8xi32> to vector<8x8xf32>
      %dot_general3A_26 = arith.constant dense<0.000000e+00> : vector<8x64xf32>
      %dot_general3A_27 = tpu.matmul %convert_element_type3A_25, %get3A_8, %dot_general3A_26 {dimension_numbers = #tpu.dot_dimension_numbers<[1], [0], [0], [1], [0, 0, 1, 1], [], []>, transpose_lhs_hint = false} : vector<8x8xf32>, vector<8x64xf32>, vector<8x64xf32> -> vector<8x64xf32>
      %iota3A_28 = tpu.iota {dimensions = array<i32: 0>} : vector<8x64xi32>
      %eq3A = vector.broadcast %sub3A_6 : i32 to vector<8x64xi32>
      %eq3A_29 = arith.cmpi eq, %iota3A_28, %eq3A : vector<8x64xi32>
      %convert_element_type3A_30 = arith.extui %eq3A_29 : vector<8x64xi1> to vector<8x64xi32>
      %convert_element_type3A_31 = arith.sitofp %convert_element_type3A_30 : vector<8x64xi32> to vector<8x64xf32>
      %mul3A_32 = arith.mulf %dot_general3A_27, %convert_element_type3A_31 : vector<8x64xf32>
      %reduce_sum3A_33 = arith.constant dense<0.000000e+00> : vector<64xf32>
      %reduce_sum3A_34 = vector.multi_reduction <add>, %mul3A_32, %reduce_sum3A_33 [0] : vector<8x64xf32> to vector<64xf32>
      %broadcast_in_dim3A_35 = vector.shape_cast %reduce_sum3A_34 : vector<64xf32> to vector<1x64xf32>
      %mul3A_36 = arith.constant 1024 : i32
      %mul3A_37 = arith.muli %sub3A_6, %mul3A_36 : i32
      %get3A_38 = arith.index_cast %mul3A_37 : i32 to index
      %get3A_39 = arith.constant 0 : index
      %get3A_40 = vector.load %arg8[%get3A_38, %get3A_39] : memref<8192x1xi32, #tpu.memory_space<vmem>>, vector<1024x1xi32>
      %iota3A_41 = tpu.iota {dimensions = array<i32: 1>} : vector<1024x64xi32>
      %eq3A_42 = vector.broadcast %get3A_40 : vector<1024x1xi32> to vector<1024x64xi32>
      %eq3A_43 = arith.cmpi eq, %iota3A_41, %eq3A_42 : vector<1024x64xi32>
      %convert_element_type3A_44 = arith.extui %eq3A_43 : vector<1024x64xi1> to vector<1024x64xi32>
      %convert_element_type3A_45 = arith.sitofp %convert_element_type3A_44 : vector<1024x64xi32> to vector<1024x64xf32>
      %add3A_46 = arith.addf %mul3A_21, %broadcast_in_dim3A_35 : vector<1x64xf32>
      %mul3A_47 = vector.broadcast %add3A_46 : vector<1x64xf32> to vector<1024x64xf32>
      %mul3A_48 = arith.mulf %convert_element_type3A_45, %mul3A_47 : vector<1024x64xf32>
      %reduce_sum3A_49 = arith.constant dense<0.000000e+00> : vector<1024xf32>
      %reduce_sum3A_50 = vector.multi_reduction <add>, %mul3A_48, %reduce_sum3A_49 [1] : vector<1024x64xf32> to vector<1024xf32>
      %broadcast_in_dim3A_51 = vector.shape_cast %reduce_sum3A_50 : vector<1024xf32> to vector<1024x1xf32>
      %convert_element_type3A_52 = arith.fptosi %broadcast_in_dim3A_51 : vector<1024x1xf32> to vector<1024x1xi32>
      %mul3A_53 = arith.constant 1024 : i32
      %mul3A_54 = arith.muli %sub3A_6, %mul3A_53 : i32
      %get3A_55 = arith.index_cast %mul3A_54 : i32 to index
      %get3A_56 = arith.constant 0 : index
      %get3A_57 = vector.load %arg9[%get3A_55, %get3A_56] : memref<8192x1xi32, #tpu.memory_space<vmem>>, vector<1024x1xi32>
      %add3A_58 = arith.addi %convert_element_type3A_52, %get3A_57 : vector<1024x1xi32>
      %swap3A = arith.constant 0 : index
      %swap3A_59 = arith.constant 0 : index
      %swap3A_60 = vector.load %arg4[%swap3A, %swap3A_59] : memref<1024x1xi32, #tpu.memory_space<vmem>>, vector<1024x1xi32>
      tpu.vector_store %arg4[%swap3A, %swap3A_59], %add3A_58 {strides = array<i32>} : memref<1024x1xi32, #tpu.memory_space<vmem>>, vector<1024x1xi32>,
      %eq3A_61 = arith.constant 7 : i32
      %eq3A_62 = arith.cmpi eq, %sub3A_6, %eq3A_61 : i32
      %convert_element_type3A_63 = arith.extui %eq3A_62 : i1 to i32
      %cond3A_64 = arith.constant 0 : i32
      %cond3A_65 = arith.cmpi ne, %convert_element_type3A_63, %cond3A_64 : i32
      scf.if %cond3A_65 {
        %iota3A_66 = tpu.iota {dimensions = array<i32: 0>} : vector<128x1xi32>
        %convert_element_type3A_67 = arith.sitofp %iota3A_66 : vector<128x1xi32> to vector<128x1xf32>
        %le3A_68 = vector.broadcast %dot_general3A_17 : vector<1x64xf32> to vector<128x64xf32>
        %le3A_69 = vector.broadcast %convert_element_type3A_67 : vector<128x1xf32> to vector<128x64xf32>
        %le3A_70 = arith.cmpf ole, %le3A_68, %le3A_69 : vector<128x64xf32>
        %convert_element_type3A_71 = arith.extui %le3A_70 : vector<128x64xi1> to vector<128x64xi32>
        %convert_element_type3A_72 = arith.sitofp %convert_element_type3A_71 : vector<128x64xi32> to vector<128x64xf32>
        %reduce_sum3A_73 = arith.constant dense<0.000000e+00> : vector<128xf32>
        %reduce_sum3A_74 = vector.multi_reduction <add>, %convert_element_type3A_72, %reduce_sum3A_73 [1] : vector<128x64xf32> to vector<128xf32>
        %broadcast_in_dim3A_75 = vector.shape_cast %reduce_sum3A_74 : vector<128xf32> to vector<128x1xf32>
        %min3A = arith.constant 6.300000e+01 : f32
        %min3A_76 = vector.broadcast %min3A : f32 to vector<128x1xf32>
        %min3A_77 = arith.minimumf %broadcast_in_dim3A_75, %min3A_76 : vector<128x1xf32>
        %convert_element_type3A_78 = arith.fptosi %min3A_77 : vector<128x1xf32> to vector<128x1xi32>
        %swap3A_79 = arith.constant 0 : index
        %swap3A_80 = arith.constant 0 : index
        %swap3A_81 = vector.load %arg5[%swap3A_79, %swap3A_80] : memref<128x1xi32, #tpu.memory_space<vmem>>, vector<128x1xi32>
        tpu.vector_store %arg5[%swap3A_79, %swap3A_80], %convert_element_type3A_78 {strides = array<i32>} : memref<128x1xi32, #tpu.memory_space<vmem>>, vector<128x1xi32>,
        %reduce_sum3A_82 = vector.shape_cast %floor3A : vector<1x64xf32> to vector<1x1x64xf32>
        %reduce_sum3A_83 = arith.constant dense<0.000000e+00> : vector<1xf32>
        %reduce_sum3A_84 = vector.multi_reduction <add>, %reduce_sum3A_82, %reduce_sum3A_83 [1, 2] : vector<1x1x64xf32> to vector<1xf32>
        %reduce_sum3A_85 = vector.shape_cast %reduce_sum3A_84 : vector<1xf32> to vector<1x1x1xf32>
        %reduce_sum3A_86 = vector.extract %reduce_sum3A_85[0, 0, 0] : f32 from vector<1x1x1xf32>
        %lt3A_87 = vector.broadcast %reduce_sum3A_86 : f32 to vector<128x1xf32>
        %lt3A_88 = arith.cmpf olt, %convert_element_type3A_67, %lt3A_87 : vector<128x1xf32>
        %convert_element_type3A_89 = arith.extui %lt3A_88 : vector<128x1xi1> to vector<128x1xi32>
        %swap3A_90 = arith.constant 0 : index
        %swap3A_91 = arith.constant 0 : index
        %swap3A_92 = vector.load %arg6[%swap3A_90, %swap3A_91] : memref<128x1xi32, #tpu.memory_space<vmem>>, vector<128x1xi32>
        tpu.vector_store %arg6[%swap3A_90, %swap3A_91], %convert_element_type3A_89 {strides = array<i32>} : memref<128x1xi32, #tpu.memory_space<vmem>>, vector<128x1xi32>,
        %get3A_93 = arith.constant 0 : index
        %get3A_94 = arith.constant 0 : index
        %get3A_95 = vector.load %arg11[%get3A_93, %get3A_94] : memref<8x64xf32, #tpu.memory_space<vmem>>, vector<8x64xf32>
        %reduce_sum3A_96 = arith.constant dense<0.000000e+00> : vector<64xf32>
        %reduce_sum3A_97 = vector.multi_reduction <add>, %get3A_95, %reduce_sum3A_96 [0] : vector<8x64xf32> to vector<64xf32>
        %broadcast_in_dim3A_98 = vector.shape_cast %reduce_sum3A_97 : vector<64xf32> to vector<1x64xf32>
        %mul3A_99 = arith.mulf %broadcast_in_dim3A_98, %broadcast_in_dim3A : vector<1x64xf32>
        %reduce_sum3A_100 = arith.constant dense<0.000000e+00> : vector<1xf32>
        %reduce_sum3A_101 = vector.multi_reduction <add>, %mul3A_99, %reduce_sum3A_100 [1] : vector<1x64xf32> to vector<1xf32>
        %broadcast_in_dim3A_102 = vector.shape_cast %reduce_sum3A_101 : vector<1xf32> to vector<1x1xf32>
        %mul3A_103 = arith.constant 9.53674316E-7 : f32
        %mul3A_104 = vector.broadcast %mul3A_103 : f32 to vector<1x1xf32>
        %mul3A_105 = arith.mulf %broadcast_in_dim3A_102, %mul3A_104 : vector<1x1xf32>
        %swap3A_106 = arith.constant 0 : index
        %swap3A_107 = arith.constant 0 : index
        %swap3A_108 = vector.load %arg7[%swap3A_106, %swap3A_107] : memref<1x1xf32, #tpu.memory_space<vmem>>, vector<1x1xf32>
        tpu.vector_store %arg7[%swap3A_106, %swap3A_107], %mul3A_105 {strides = array<i32>} : memref<1x1xf32, #tpu.memory_space<vmem>>, vector<1x1xf32>,
      } else {
      }
    } else {
    }
    return
  }
  func.func @transform_0(%arg0: i32) -> (i32, i32) {
    %lt3A = arith.constant 8 : i32
    %lt3A_0 = arith.cmpi slt, %arg0, %lt3A : i32
    %jit3A = arith.constant 7 : i32
    %select_n3A = arith.select %lt3A_0, %arg0, %jit3A : i32
    %c0_i32 = arith.constant 0 : i32
    %c0_i32_1 = arith.constant 0 : i32
    return %select_n3A, %c0_i32 : i32, i32
  }
  func.func @transform_1(%arg0: i32) -> (i32, i32) {
    %c0_i32 = arith.constant 0 : i32
    %c0_i32_0 = arith.constant 0 : i32
    %c0_i32_1 = arith.constant 0 : i32
    return %c0_i32, %c0_i32_0 : i32, i32
  }
  func.func @transform_2(%arg0: i32) -> (i32, i32) {
    %c0_i32 = arith.constant 0 : i32
    %c0_i32_0 = arith.constant 0 : i32
    %c0_i32_1 = arith.constant 0 : i32
    return %c0_i32, %c0_i32_0 : i32, i32
  }
  func.func @transform_3(%arg0: i32) -> (i32, i32) {
    %lt3A = arith.constant 8 : i32
    %lt3A_0 = arith.cmpi slt, %arg0, %lt3A : i32
    %sub3A = arith.constant 8 : i32
    %sub3A_1 = arith.subi %arg0, %sub3A : i32
    %jit3A = arith.constant 0 : i32
    %select_n3A = arith.select %lt3A_0, %jit3A, %sub3A_1 : i32
    %c0_i32 = arith.constant 0 : i32
    %c0_i32_2 = arith.constant 0 : i32
    return %select_n3A, %c0_i32 : i32, i32
  }
  func.func @transform_4(%arg0: i32) -> (i32, i32) {
    %c0_i32 = arith.constant 0 : i32
    %c0_i32_0 = arith.constant 0 : i32
    %c0_i32_1 = arith.constant 0 : i32
    return %c0_i32, %c0_i32_0 : i32, i32
  }
  func.func @transform_5(%arg0: i32) -> (i32, i32) {
    %c0_i32 = arith.constant 0 : i32
    %c0_i32_0 = arith.constant 0 : i32
    %c0_i32_1 = arith.constant 0 : i32
    return %c0_i32, %c0_i32_0 : i32, i32
  }
  func.func @transform_6(%arg0: i32) -> (i32, i32) {
    %c0_i32 = arith.constant 0 : i32
    %c0_i32_0 = arith.constant 0 : i32
    %c0_i32_1 = arith.constant 0 : i32
    return %c0_i32, %c0_i32_0 : i32, i32
  }
}

module attributes {stable_mosaic.version = 14 : i64} {
  func.func @_expert_body(%arg0: i32, %arg1: i32, %arg2: memref<128x1xi32, #tpu.memory_space<smem>>, %arg3: memref<128x1xi32, #tpu.memory_space<smem>>, %arg4: memref<128x768xf32, #tpu.memory_space<vmem>>, %arg5: memref<1x768x1536xf32, #tpu.memory_space<vmem>>, %arg6: memref<1x1x1536xf32, #tpu.memory_space<vmem>>, %arg7: memref<1x1536x768xf32, #tpu.memory_space<vmem>>, %arg8: memref<1x1x768xf32, #tpu.memory_space<vmem>>, %arg9: memref<768x64xf32, #tpu.memory_space<vmem>>, %arg10: memref<1x64xf32, #tpu.memory_space<vmem>>, %arg11: memref<128x768xf32, #tpu.memory_space<vmem>>) attributes {dimension_semantics = [#tpu.dimension_semantics<arbitrary>, #tpu.dimension_semantics<arbitrary>], iteration_bounds = array<i64: 128, 2>, scalar_prefetch = 2 : i64, scratch_operands = 0 : i64, tpu.core_type = #tpu.core_type<tc>, window_params = [{transform_indices = @transform_0, window_bounds = array<i64: 128, 768>}, {transform_indices = @transform_1, window_bounds = array<i64: 1, 768, 1536>}, {transform_indices = @transform_2, window_bounds = array<i64: 1, 1, 1536>}, {transform_indices = @transform_3, window_bounds = array<i64: 1, 1536, 768>}, {transform_indices = @transform_4, window_bounds = array<i64: 1, 1, 768>}, {pipeline_mode = #tpu.pipeline_mode<synchronous>, transform_indices = @transform_5, window_bounds = array<i64: 768, 64>}, {pipeline_mode = #tpu.pipeline_mode<synchronous>, transform_indices = @transform_6, window_bounds = array<i64: 1, 64>}, {transform_indices = @transform_7, window_bounds = array<i64: 128, 768>}]} {
    %get3A = arith.index_cast %arg0 : i32 to index
    %get3A_0 = arith.constant 0 : index
    %get3A_1 = memref.load %arg3[%get3A, %get3A_0] : memref<128x1xi32, #tpu.memory_space<smem>>
    %gt3A = arith.constant 0 : i32
    %gt3A_2 = arith.cmpi sgt, %get3A_1, %gt3A : i32
    %convert_element_type3A = arith.extui %gt3A_2 : i1 to i32
    %cond3A = arith.constant 0 : i32
    %cond3A_3 = arith.cmpi ne, %convert_element_type3A, %cond3A : i32
    scf.if %cond3A_3 {
      %get3A_4 = arith.constant 0 : index
      %get3A_5 = arith.constant 0 : index
      %get3A_6 = vector.load %arg4[%get3A_4, %get3A_5] : memref<128x768xf32, #tpu.memory_space<vmem>>, vector<128x768xf32>
      %get3A_7 = arith.constant 0 : index
      %get3A_8 = arith.constant 0 : index
      %get3A_9 = vector.load %arg9[%get3A_7, %get3A_8] : memref<768x64xf32, #tpu.memory_space<vmem>>, vector<768x64xf32>
      %dot_general3A = arith.constant dense<0.000000e+00> : vector<128x64xf32>
      %dot_general3A_10 = tpu.matmul %get3A_6, %get3A_9, %dot_general3A {dimension_numbers = #tpu.dot_dimension_numbers<[1], [0], [0], [1], [0, 0, 1, 1], [], []>, transpose_lhs_hint = false} : vector<128x768xf32>, vector<768x64xf32>, vector<128x64xf32> -> vector<128x64xf32>
      %get3A_11 = arith.constant 0 : index
      %get3A_12 = arith.constant 0 : index
      %get3A_13 = vector.load %arg10[%get3A_11, %get3A_12] : memref<1x64xf32, #tpu.memory_space<vmem>>, vector<1x64xf32>
      %add3A = vector.broadcast %get3A_13 : vector<1x64xf32> to vector<128x64xf32>
      %add3A_14 = arith.addf %dot_general3A_10, %add3A : vector<128x64xf32>
      %reduce_max3A = arith.constant dense<0xFF800000> : vector<128xf32>
      %reduce_max3A_15 = vector.multi_reduction <maximumf>, %add3A_14, %reduce_max3A [1] : vector<128x64xf32> to vector<128xf32>
      %broadcast_in_dim3A = vector.shape_cast %reduce_max3A_15 : vector<128xf32> to vector<128x1xf32>
      %sub3A = vector.broadcast %broadcast_in_dim3A : vector<128x1xf32> to vector<128x64xf32>
      %sub3A_16 = arith.subf %add3A_14, %sub3A : vector<128x64xf32>
      %exp3A = math.exp %sub3A_16 : vector<128x64xf32>
      %reduce_sum3A = arith.constant dense<0.000000e+00> : vector<128xf32>
      %reduce_sum3A_17 = vector.multi_reduction <add>, %exp3A, %reduce_sum3A [1] : vector<128x64xf32> to vector<128xf32>
      %broadcast_in_dim3A_18 = vector.shape_cast %reduce_sum3A_17 : vector<128xf32> to vector<128x1xf32>
      %div3A = arith.constant 1.000000e+00 : f32
      %div3A_19 = vector.broadcast %div3A : f32 to vector<128x1xf32>
      %div3A_20 = arith.divf %div3A_19, %broadcast_in_dim3A_18 : vector<128x1xf32>
      %get3A_21 = arith.constant 0 : index
      %get3A_22 = arith.constant 0 : index
      %get3A_23 = arith.constant 0 : index
      %get3A_24 = vector.load %arg5[%get3A_21, %get3A_22, %get3A_23] : memref<1x768x1536xf32, #tpu.memory_space<vmem>>, vector<1x768x1536xf32>
      %get3A_25 = vector.shape_cast %get3A_24 : vector<1x768x1536xf32> to vector<768x1536xf32>
      %dot_general3A_26 = arith.constant dense<0.000000e+00> : vector<128x1536xf32>
      %dot_general3A_27 = tpu.matmul %get3A_6, %get3A_25, %dot_general3A_26 {dimension_numbers = #tpu.dot_dimension_numbers<[1], [0], [0], [1], [0, 0, 1, 1], [], []>, transpose_lhs_hint = false} : vector<128x768xf32>, vector<768x1536xf32>, vector<128x1536xf32> -> vector<128x1536xf32>
      %get3A_28 = arith.constant 0 : index
      %get3A_29 = arith.constant 0 : index
      %get3A_30 = arith.constant 0 : index
      %get3A_31 = vector.load %arg6[%get3A_28, %get3A_29, %get3A_30] : memref<1x1x1536xf32, #tpu.memory_space<vmem>>, vector<1x1x1536xf32>
      %get3A_32 = vector.shape_cast %get3A_31 : vector<1x1x1536xf32> to vector<1x1536xf32>
      %add3A_33 = vector.broadcast %get3A_32 : vector<1x1536xf32> to vector<128x1536xf32>
      %add3A_34 = arith.addf %dot_general3A_27, %add3A_33 : vector<128x1536xf32>
      %max3A = arith.constant 0.000000e+00 : f32
      %max3A_35 = vector.broadcast %max3A : f32 to vector<128x1536xf32>
      %max3A_36 = arith.maximumf %add3A_34, %max3A_35 : vector<128x1536xf32>
      %get3A_37 = arith.constant 0 : index
      %get3A_38 = arith.constant 0 : index
      %get3A_39 = arith.constant 0 : index
      %get3A_40 = vector.load %arg7[%get3A_37, %get3A_38, %get3A_39] : memref<1x1536x768xf32, #tpu.memory_space<vmem>>, vector<1x1536x768xf32>
      %get3A_41 = vector.shape_cast %get3A_40 : vector<1x1536x768xf32> to vector<1536x768xf32>
      %dot_general3A_42 = arith.constant dense<0.000000e+00> : vector<128x768xf32>
      %dot_general3A_43 = tpu.matmul %max3A_36, %get3A_41, %dot_general3A_42 {dimension_numbers = #tpu.dot_dimension_numbers<[1], [0], [0], [1], [0, 0, 1, 1], [], []>, transpose_lhs_hint = false} : vector<128x1536xf32>, vector<1536x768xf32>, vector<128x768xf32> -> vector<128x768xf32>
      %eq3A = arith.constant 0 : i32
      %eq3A_44 = arith.cmpi eq, %arg1, %eq3A : i32
      %convert_element_type3A_45 = arith.extui %eq3A_44 : i1 to i32
      %cond3A_46 = arith.constant 0 : i32
      %cond3A_47 = arith.cmpi ne, %convert_element_type3A_45, %cond3A_46 : i32
      scf.if %cond3A_47 {
        %get3A_53 = arith.constant 0 : index
        %get3A_54 = arith.constant 0 : index
        %get3A_55 = arith.constant 0 : index
        %get3A_56 = vector.load %arg8[%get3A_53, %get3A_54, %get3A_55] : memref<1x1x768xf32, #tpu.memory_space<vmem>>, vector<1x1x768xf32>
        %get3A_57 = vector.shape_cast %get3A_56 : vector<1x1x768xf32> to vector<1x768xf32>
        %add3A_58 = vector.broadcast %get3A_57 : vector<1x768xf32> to vector<128x768xf32>
        %add3A_59 = arith.addf %dot_general3A_43, %add3A_58 : vector<128x768xf32>
        %mul3A = vector.broadcast %div3A_20 : vector<128x1xf32> to vector<128x768xf32>
        %mul3A_60 = arith.mulf %add3A_59, %mul3A : vector<128x768xf32>
        %swap3A = arith.constant 0 : index
        %swap3A_61 = arith.constant 0 : index
        %swap3A_62 = vector.load %arg11[%swap3A, %swap3A_61] : memref<128x768xf32, #tpu.memory_space<vmem>>, vector<128x768xf32>
        tpu.vector_store %arg11[%swap3A, %swap3A_61], %mul3A_60 {strides = array<i32>} : memref<128x768xf32, #tpu.memory_space<vmem>>, vector<128x768xf32>,
      } else {
      }
      %gt3A_48 = arith.constant 0 : i32
      %gt3A_49 = arith.cmpi sgt, %arg1, %gt3A_48 : i32
      %convert_element_type3A_50 = arith.extui %gt3A_49 : i1 to i32
      %cond3A_51 = arith.constant 0 : i32
      %cond3A_52 = arith.cmpi ne, %convert_element_type3A_50, %cond3A_51 : i32
      scf.if %cond3A_52 {
        %get3A_53 = arith.constant 0 : index
        %get3A_54 = arith.constant 0 : index
        %get3A_55 = vector.load %arg11[%get3A_53, %get3A_54] : memref<128x768xf32, #tpu.memory_space<vmem>>, vector<128x768xf32>
        %mul3A = vector.broadcast %div3A_20 : vector<128x1xf32> to vector<128x768xf32>
        %mul3A_56 = arith.mulf %dot_general3A_43, %mul3A : vector<128x768xf32>
        %add3A_57 = arith.addf %get3A_55, %mul3A_56 : vector<128x768xf32>
        %swap3A = arith.constant 0 : index
        %swap3A_58 = arith.constant 0 : index
        %swap3A_59 = vector.load %arg11[%swap3A, %swap3A_58] : memref<128x768xf32, #tpu.memory_space<vmem>>, vector<128x768xf32>
        tpu.vector_store %arg11[%swap3A, %swap3A_58], %add3A_57 {strides = array<i32>} : memref<128x768xf32, #tpu.memory_space<vmem>>, vector<128x768xf32>,
      } else {
      }
    } else {
    }
    return
  }
  func.func @transform_0(%arg0: i32, %arg1: i32, %arg2: memref<128x1xi32, #tpu.memory_space<smem>>, %arg3: memref<128x1xi32, #tpu.memory_space<smem>>) -> (i32, i32) {
    %c0_i32 = arith.constant 0 : i32
    %c0_i32_0 = arith.constant 0 : i32
    return %arg0, %c0_i32 : i32, i32
  }
  func.func @transform_1(%arg0: i32, %arg1: i32, %arg2: memref<128x1xi32, #tpu.memory_space<smem>>, %arg3: memref<128x1xi32, #tpu.memory_space<smem>>) -> (i32, i32, i32) {
    %get3A = arith.index_cast %arg0 : i32 to index
    %get3A_0 = arith.constant 0 : index
    %get3A_1 = memref.load %arg2[%get3A, %get3A_0] : memref<128x1xi32, #tpu.memory_space<smem>>
    %c0_i32 = arith.constant 0 : i32
    %c0_i32_2 = arith.constant 0 : i32
    return %get3A_1, %c0_i32, %arg1 : i32, i32, i32
  }
  func.func @transform_2(%arg0: i32, %arg1: i32, %arg2: memref<128x1xi32, #tpu.memory_space<smem>>, %arg3: memref<128x1xi32, #tpu.memory_space<smem>>) -> (i32, i32, i32) {
    %get3A = arith.index_cast %arg0 : i32 to index
    %get3A_0 = arith.constant 0 : index
    %get3A_1 = memref.load %arg2[%get3A, %get3A_0] : memref<128x1xi32, #tpu.memory_space<smem>>
    %c0_i32 = arith.constant 0 : i32
    %c0_i32_2 = arith.constant 0 : i32
    return %get3A_1, %c0_i32, %arg1 : i32, i32, i32
  }
  func.func @transform_3(%arg0: i32, %arg1: i32, %arg2: memref<128x1xi32, #tpu.memory_space<smem>>, %arg3: memref<128x1xi32, #tpu.memory_space<smem>>) -> (i32, i32, i32) {
    %get3A = arith.index_cast %arg0 : i32 to index
    %get3A_0 = arith.constant 0 : index
    %get3A_1 = memref.load %arg2[%get3A, %get3A_0] : memref<128x1xi32, #tpu.memory_space<smem>>
    %c0_i32 = arith.constant 0 : i32
    %c0_i32_2 = arith.constant 0 : i32
    return %get3A_1, %arg1, %c0_i32 : i32, i32, i32
  }
  func.func @transform_4(%arg0: i32, %arg1: i32, %arg2: memref<128x1xi32, #tpu.memory_space<smem>>, %arg3: memref<128x1xi32, #tpu.memory_space<smem>>) -> (i32, i32, i32) {
    %get3A = arith.index_cast %arg0 : i32 to index
    %get3A_0 = arith.constant 0 : index
    %get3A_1 = memref.load %arg2[%get3A, %get3A_0] : memref<128x1xi32, #tpu.memory_space<smem>>
    %c0_i32 = arith.constant 0 : i32
    %c0_i32_2 = arith.constant 0 : i32
    %c0_i32_3 = arith.constant 0 : i32
    return %get3A_1, %c0_i32, %c0_i32_2 : i32, i32, i32
  }
  func.func @transform_5(%arg0: i32, %arg1: i32, %arg2: memref<128x1xi32, #tpu.memory_space<smem>>, %arg3: memref<128x1xi32, #tpu.memory_space<smem>>) -> (i32, i32) {
    %c0_i32 = arith.constant 0 : i32
    %c0_i32_0 = arith.constant 0 : i32
    %c0_i32_1 = arith.constant 0 : i32
    return %c0_i32, %c0_i32_0 : i32, i32
  }
  func.func @transform_6(%arg0: i32, %arg1: i32, %arg2: memref<128x1xi32, #tpu.memory_space<smem>>, %arg3: memref<128x1xi32, #tpu.memory_space<smem>>) -> (i32, i32) {
    %c0_i32 = arith.constant 0 : i32
    %c0_i32_0 = arith.constant 0 : i32
    %c0_i32_1 = arith.constant 0 : i32
    return %c0_i32, %c0_i32_0 : i32, i32
  }
  func.func @transform_7(%arg0: i32, %arg1: i32, %arg2: memref<128x1xi32, #tpu.memory_space<smem>>, %arg3: memref<128x1xi32, #tpu.memory_space<smem>>) -> (i32, i32) {
    %c0_i32 = arith.constant 0 : i32
    %c0_i32_0 = arith.constant 0 : i32
    return %arg0, %c0_i32 : i32, i32
  }
}

</mosaic_0001>

<sc_bundles>
// kernel: kernel.6.cloned.1.call-start
scs
__scs_entry_jumppad:
0x0: {  	(pc) =	sbr.rel $0x88, $3  }
0x1: {  	(tag) =	ssettag $0x0;
	lr =	simm.s32 $0x1  }
0x2: {  	[smem:$0x3F9A] =	sst lr;
	_ =	strace $0xD0000000  }
0x3: {  	_ = 	snop  }
0x4: {  	_ = 	snop  }
0x5: {  	_ = 	snop  }
0x6: {  	_ = 	snop  }
0x7: {  	_ = 	snop  }
__scs_overlays_trampoline_lowered:
0x8: {  	[smem:$0x3FA9] =	sst s0  }
0x9: {  	[smem:$0x3FAA] =	sst s1  }
0xa: {  	[smem:$0x3FAB] =	sst s2  }
0xb: {  	[smem:$0x3FAC] =	sst s3  }
0xc: {  	[smem:$0x3FAD] =	sst s4  }
0xd: {  	[smem:$0x3FAE] =	sst s5  }
0xe: {  	[smem:$0x3FAF] =	sst s6  }
0xf: {  	[smem:$0x3FB0] =	sst s7  }
0x10: {  	[smem:$0x3FB1] =	sst s8  }
0x11: {  	[smem:$0x3FB2] =	sst s9;
	s0 =	simm.s32 @!p0 $0x0  }
0x12: {  	s1 =	sld [smem:$0x3F98];
	s0 =	simm.s32 @p0 $0x1  }
0x13: {  	[smem:$0x3FB3] =	sst s0;
	s0 =	simm.s32 @!p1 $0x0  }
0x14: {  	s2 =	sld [smem:$0x3F97];
	s0 =	simm.s32 @p1 $0x1  }
0x15: {  	[smem:$0x3FB4] =	sst s0;
	s0 =	simm.s32 @!p2 $0x0  }
0x16: {  	s3 =	sld [smem:$0x3FDB];
	s0 =	simm.s32 @p2 $0x1  }
0x17: {  	s4 =	simm.s32 $0x1BF5;
	[smem:$0x3FB6] =	sst s0  }
0x18: {  	s0 =	sld [smem:$0x3F99];
	_ =	swait.ge [sflag:s4], $0x0  }
0x19: {  	s7 =	sld [smem:$0x3F9A]  }
0x1a: {  	s8 =	sadd.s32 $0xFFFFE003, lr  }
0x1b: {  	s9 =	sadd.s32 $0xFFFFFEF7, lr;
	s5 =	simm.s32 $0xFFFFFFFF;
	p2 =	slt.u32 s8, $0xFFFFF086  }
0x1c: {  	p1 =	slt.u32 s9, $0xF7A;
	s5 =	simm.s32 @!p2 $0x0  }
0x1d: {  	s5 =	simm.s32 @p1 $0x1;
	p0 =	seq.s32 s7, s2  }
0x1e: {  	s7 =	smul.u32 @!p0 $0xF7A, s2;
	p2 =	seq.s32 @!p0 s5, $0x0  }
0x1f: {  	s9 =	smul.u32 $0xF7A, s1;
	s8 =	simm.s32 @!p0 $0x1BF5;
	p2 =	por !p2, p0  }
0x20: {  	[sflag:s8] =	ssyncset.s32 @!p0 $0xFFFFF086;
	s6 =	sadd.s32 @!p0 s3, s7;
	s7 =	simm.s32 @!p0 $0x108  }
0x21: {  	s3 =	sadd.s32 s3, s9;
	s6 =	sadd.s32 @!p0 $0x88, s6;
	s7 =	simm.s32 @p2 $0x1082  }
0x22: {  	[simem:s7], [sflag:s8] =	dma.local @!p0 [hbm:s6], $0xF7A  }
0x23: {  	s9 =	sor.u32 $0xD0000000, s2;
	s6 =	simm.s32 $0x108;
	_ =	swait.ge @!p0 [sflag:s8], $0x0  }
0x24: {  	s3 =	sadd.s32 $0x88, s3;
	s6 =	simm.s32 @!p1 $0x1082;
	[sflag:s4] =	ssyncset.s32 $0xFFFFF086  }
0x25: {  	[simem:s6], [sflag:s4] =	dma.local [hbm:s3], $0xF7A  }
0x26: {  	[smem:$0x3F9A] =	sst s1;
	(tag) =	ssettag s2;
	_ =	strace s9  }
0x27: {  	s1 =	sld [smem:$0x3FAA]  }
0x28: {  	s2 =	sld [smem:$0x3FAB]  }
0x29: {  	s4 =	sld [smem:$0x3FAD]  }
0x2a: {  	p0 =	seq.s32 s5, $0x0;
	s5 =	sld [smem:$0x3FAE]  }
0x2b: {  	s6 =	sld [smem:$0x3FAF]  }
0x2c: {  	s7 =	sld [smem:$0x3FB0]  }
0x2d: {  	s3 =	simm.s32 $0x108;
	s8 =	sld [smem:$0x3FB1]  }
0x2e: {  	s3 =	simm.s32 @!p0 $0x1082;
	s9 =	sld [smem:$0x3FB2]  }
0x2f: {  	lr =	sadd.s32 s0, s3;
	s0 =	sld [smem:$0x3FA9]  }
0x30: {  	s3 =	sld [smem:$0x3FAC]  }
0x31: {  	[smem:$0x3FB5] =	sst s10  }
0x32: {  	s10 =	sld [smem:$0x3FB3];
	_ =	sdelay $0x3  }
0x33: {  	p0 =	seq.s32 s10, $0x1;
	s10 =	sld [smem:$0x3FB5];
	_ =	sdelay $0x3  }
0x34: {  	[smem:$0x3FB5] =	sst s10  }
0x35: {  	s10 =	sld [smem:$0x3FB4];
	_ =	sdelay $0x3  }
0x36: {  	p1 =	seq.s32 s10, $0x1;
	s10 =	sld [smem:$0x3FB5];
	_ =	sdelay $0x3  }
0x37: {  	[smem:$0x3FB5] =	sst s10  }
0x38: {  	s10 =	sld [smem:$0x3FB6]  }
0x39: {  	_ = 	snop;
	(pc) =	sbr.ind lr, $3  }
0x3a: {  	_ = 	snop  }
0x3b: {  	_ = 	snop  }
0x3c: {  	p2 =	seq.s32 s10, $0x1;
	s10 =	sld [smem:$0x3FB5]  }
0x3d: {  	_ =	shalt  }
0x3e: {  	_ =	shalt  }
0x3f: {  	_ =	shalt  }
0x40: {  	_ =	shalt  }
0x41: {  	_ =	shalt  }
0x42: {  	_ =	shalt  }
0x43: {  	_ =	shalt  }
0x44: {  	_ =	shalt  }
0x45: {  	_ =	shalt  }
0x46: {  	_ =	shalt  }
0x47: {  	_ =	shalt  }
0x48: {  	_ =	shalt  }
0x49: {  	_ =	shalt  }
0x4a: {  	_ =	shalt  }
0x4b: {  	_ =	shalt  }
0x4c: {  	_ =	shalt  }
0x4d: {  	_ =	shalt  }
0x4e: {  	_ =	shalt  }
0x4f: {  	_ =	shalt  }
0x50: {  	_ =	shalt  }
0x51: {  	_ =	shalt  }
0x52: {  	_ =	shalt  }
0x53: {  	_ =	shalt  }
0x54: {  	_ =	shalt  }
0x55: {  	_ =	shalt  }
0x56: {  	_ =	shalt  }
0x57: {  	_ =	shalt  }
0x58: {  	_ =	shalt  }
0x59: {  	_ =	shalt  }
0x5a: {  	_ =	shalt  }
0x5b: {  	_ =	shalt  }
0x5c: {  	_ =	shalt  }
0x5d: {  	_ =	shalt  }
0x5e: {  	_ =	shalt  }
0x5f: {  	_ =	shalt  }
0x60: {  	_ =	shalt  }
0x61: {  	_ =	shalt  }
0x62: {  	_ =	shalt  }
0x63: {  	_ =	shalt  }
0x64: {  	_ =	shalt  }
0x65: {  	_ =	shalt  }
0x66: {  	_ =	shalt  }
0x67: {  	_ =	shalt  }
0x68: {  	_ =	shalt  }
0x69: {  	_ =	shalt  }
0x6a: {  	_ =	shalt  }
0x6b: {  	_ =	shalt  }
0x6c: {  	_ =	shalt  }
0x6d: {  	_ =	shalt  }
0x6e: {  	_ =	shalt  }
0x6f: {  	_ =	shalt  }
0x70: {  	_ =	shalt  }
0x71: {  	_ =	shalt  }
0x72: {  	_ =	shalt  }
0x73: {  	_ =	shalt  }
0x74: {  	_ =	shalt  }
0x75: {  	_ =	shalt  }
0x76: {  	_ =	shalt  }
0x77: {  	_ =	shalt  }
0x78: {  	_ =	shalt  }
0x79: {  	_ =	shalt  }
0x7a: {  	_ =	shalt  }
0x7b: {  	_ =	shalt  }
0x7c: {  	_ =	shalt  }
0x7d: {  	_ =	shalt  }
0x7e: {  	_ =	shalt  }
0x7f: {  	_ =	shalt  }
0x80: {  	_ =	shalt  }
0x81: {  	_ =	shalt  }
0x82: {  	_ =	shalt  }
0x83: {  	_ =	shalt  }
0x84: {  	_ =	shalt  }
0x85: {  	_ =	shalt  }
0x86: {  	_ =	shalt  }
0x87: {  	_ =	shalt  }
.Lfunc_end0:
.L_simem_size_0:
called_computation_lowered:
.L_overlay_start_0:
0x88: {  	s2 =	sld [smem:$0x3FD9]  }
0x89: {  	s3 =	sld [smem:$0x3FFE];
	_ =	sdelay $0x1  }
0x8a: {  	s1 =	srdreg.scid  }
0x8b: {  	s0 =	sand.u32 $0x1, s1  }
0x8c: {  	s14 =	sshll.u32 s0, $0xA;
	s2 =	sadd.s32 s3, s2  }
0x8d: {  	s2 =	sadd.s32 s2, s14  }
0x8e: {  	[smem:$0x3FC1] =	sst s2  }
0x8f: {  	_ = 	snop  }
0x90: {  	s2 =	sld [smem:$0x3FD0];
	_ =	sdelay $0x2  }
0x91: {  	s4 =	simm.s32 $0xA;
	s5 =	simm.s32 $0x10;
	s15 =	sld [smem:$0x3FC9]  }
0x92: {  	[smem:s5], [sflag:s4] =	dma.local [hbm:s2], $0x1  }
0x93: {  	_ =	swait.eq [sflag:s4], $0x1  }
0x94: {  	[sflag:s4] =	ssyncset.done $0x0  }
0x95: {  	[sflag:s4] =	ssyncadd.s32 $0xFFFFFFFF  }
0x96: {  	s16 =	sld [smem:$0x10];
	(tm) =	ssettm $0x1  }
0x97: {  	s17 =	sld [smem:$0x3FFB];
	_ =	sdelay $0x3  }
0x98: {  	_ =	strace s17  }
0x99: {  	s4 =	sld [smem:$0x3FFC];
	_ =	sdelay $0x3  }
0x9a: {  	_ =	strace s4  }
0x9b: {  	s4 =	sld [smem:$0x3FFD];
	_ =	sdelay $0x3  }
0x9c: {  	_ =	strace s4  }
0x9d: {  	_ =	strace $0x8FFFFFFF  }
0x9e: {  	s18 =	sld [smem:$0x3FDB];
	_ =	sdelay $0x1  }
0x9f: {  	s19 =	simm.s32 $_scs_section_size  }
0xa0: {  	s6 =	simm.s32 $_size__tile_overlayer_lowered;
	s7 =	simm.s32 $_tile_overlayer_lowered  }
0xa1: {  	s22 =	simm.s32 $0x1BFF;
	s21 =	sshll.u32 s7, $0x1;
	s4 =	sadd.s32 s19, s18  }
0xa2: {  	s8 =	simm.s32 $0x0;
	s20 =	sshll.u32 s6, $0x1;
	s6 =	sadd.s32 s21, s4  }
0xa3: {  	[timem:s8], [sflag:s22] =	dma.local [hbm:s6], s20  }
0xa4: {  	_ =	swait.ge [sflag:s22], s20  }
0xa5: {  	s5 =	ssub.s32 $0x0, s20;
	[sflag:s22] =	ssyncset.done $0x0  }
0xa6: {  	[sflag:s22] =	ssyncadd.s32 s5;
	_ =	sdelay $0x1  }
0xa7: {  	s23 =	simm.s32 $0x1B8B  }
0xa8: {  	_ =	swait.ge [sflag:s23], $0x1  }
0xa9: {  	[sflag:s23] =	ssyncset.done $0x0  }
0xaa: {  	s25 =	simm.s32 $0x1B8E;
	s24 =	sld [smem:$0x3FFE];
	[sflag:s23] =	ssyncadd.s32 $0xFFFFFFFF  }
0xab: {  	s26 =	simm.s32 $execute0_lowered;
	[smem:$0x3FD2] =	sst s25  }
0xac: {  	s6 =	sshll.u32 s26, $0x1;
	_ =	strace $0x80000046;
	[dreg:$0x1] =	wrdreg $0xFFFFFFFF  }
0xad: {  	s28 =	simm.s32 $_size_execute0_lowered;
	s4 =	sadd.s32 s4, s6;
	[dreg:$0x0] =	wrdreg $0x0  }
0xae: {  	s6 =	sshll.u32 s28, $0x1;
	[dreg:$0x2] =	wrdreg s4  }
0xaf: {  	[dreg:$0x3] =	wrdreg s6  }
0xb0: {  	[dreg:$0x4] =	wrdreg $0xC0  }
0xb1: {  	_ =	task [dreg:s8], $0x5FFFF  }
0xb2: {  	[dreg:$0x1] =	wrdreg $0xFFFFFFFF  }
0xb3: {  	[dreg:$0x0] =	wrdreg $0x60  }
0xb4: {  	[dreg:$0x2] =	wrdreg s15  }
0xb5: {  	[dreg:$0x3] =	wrdreg s16  }
0xb6: {  	[dreg:$0x4] =	wrdreg s24  }
0xb7: {  	[dreg:$0x5] =	wrdreg $0x9  }
0xb8: {  	_ =	task.clear_ibuf [dreg:s8], $0x6FFFF;
	_ =	strace $0x90000046  }
0xb9: {  	s29 =	simm.s32 $0x9;
	_ =	strace $0x80000048  }
0xba: {  	_ =	swait.ge [sflag:s29], $0x1  }
0xbb: {  	[sflag:s29] =	ssyncadd.s32 $0xFFFFFFFF  }
0xbc: {  	_ =	strace $0x90000048  }
0xbd: {  	_ =	sfence  }
0xbe: {  	s30 =	sld [smem:$0x0];
	_ =	sdelay $0x2  }
0xbf: {  	s31 =	sshll.u32 s1, $0xD;
	s1 =	sshrl.u32 s1, $0x2  }
0xc0: {  	s3 =	sand.u32 $0x4000, s31;
	s1 =	sadd.s32 s1, s30  }
0xc1: {  	s0 =	sor.u32 s3, s0;
	s1 =	sshll.u32 s1, $0x11  }
0xc2: {  	s0 =	sor.u32 s1, s0  }
0xc3: {  	s0 =	sadd.s32 $0x8F2B, s0  }
0xc4: {  	[sflag:s0] =	ssyncadd.remote.s32 $0x1  }
0xc5: {  	_ =	sfence.sel $0xFFFF  }
0xc6: {  	[dreg:$0x0] =	wrdreg $0xFFFFFFFF;
	(pc) =	sbr.abs _section_cstart, $3  }
0xc7: {  	[dreg:$0x1] =	wrdreg $0xFFFFFFFF  }
0xc8: {  	_ =	task.clear_ibuf [dreg:s8], $0x2FFFF;
	_ =	strace $0x9FFFFFFF  }
0xc9: {  	(tm) =	ssettm $0x7FFFFFFF  }
tec
execute0_lowered:
.L_overlay_start_1:
0x0: {  	(tag) =	ssettag $0x1  }
0x1: {  	s0 =	rddreg [dreg:$0x0]  }
0x2: {  	s1 =	rddreg [dreg:$0x1];
	s2 =	srdreg.scid  }
0x3: {  	s3 =	stileid.u32;
	s4 =	rddreg [dreg:$0x2];
	s9 =	simm.s32 $0x200  }
0x4: {  	s11 =	simm.s32 $0xA00;
	s12 =	simm.s32 $0x1200;
	s13 =	simm.s32 $0x1A00  }
0x5: {  	s14 =	simm.s32 $0x2200;
	s15 =	simm.s32 $0x2A00;
	s16 =	simm.s32 $0x3200  }
0x6: {  	s17 =	simm.s32 $0x3A00;
	s18 =	simm.s32 $0x4200;
	s19 =	simm.s32 $0x4A00  }
0x7: {  	s20 =	simm.s32 $0x5200;
	s21 =	simm.s32 $0x5A00;
	s28 =	simm.s32 $0x8A00  }
0x8: {  	s29 =	simm.s32 $0x9200;
	s30 =	simm.s32 $0x9A00;
	s31 =	simm.s32 $0xA200  }
0x9: {  	s5 =	sand.u32 $0x1, s2;
	s3 =	sshll.u32 s3, $0x1;
	s2 =	simm.s32 $0x0  }
0xa: {  	s6 =	sor.u32 s5, s3;
	[smem:$0x7FF] =	sst s2;
	s3 =	sadd.s32 $0x1400, s4  }
0xb: {  	s5 =	ssub.s32 $0x2, s5;
	s7 =	smul.u32 $0x6000, s6;
	_ =	strace $0x80000047  }
0xc: {  	s8 =	smul.u32 $0x30000, s6;
	s6 =	sshll.u32 s6, $0x6;
	s24 =	sshrl.u32 s5, $0x1  }
0xd: {  	s1 =	sadd.s32 s1, s6;
	s26 =	ssub.s32 s5, s24;
	s5 =	sadd.s32 $0x1500, s4  }
0xe: {  	s6 =	sadd.s32 $0x1600, s4;
	s4 =	simm.s32 $0x1;
	s24 =	simm.s32 $0x7200  }
0xf: {  	s7 =	sadd.s32 s0, s7;
	s22 =	sshrl.u32 s8, $0x3;
	[dreg:$0x4] =	wrdreg s1  }
0x10: {  	s8 =	simm.s32 $0x2;
	s1 =	simm.s32 $0xAA00;
	[dreg:$0x8] =	wrdreg s7  }
0x11: {  	s23 =	sadd.s32 $0x1800, s7;
	s0 =	sadd.s32 s0, s22;
	s7 =	smax.u32 s26, $0x1  }
0x12: {  	v2 =	vlaneseq.u32;
	s22 =	simm.s32 $0x6200;
	[dreg:$0x5] =	wrdreg s23;
	s25 =	sadd.s32 $0x3000, s0  }
0x13: {  	vm0 =	vmmov $0xffff;
	v1 =	vshrl.u32 v2, $0x3;
	s26 =	simm.s32 $0x8200;
	s0 =	sadd.s32 $0x4800, s0;
	[dreg:$0x6] =	wrdreg s25  }
0x14: {  	v0 =	vand.u32 $0x7, v2;
	v2 =	vor.u32 $0x8, v2;
	v1 =	vmul.u32 $0x8, v1;
	s23 =	simm.s32 $0x6A00;
	[dreg:$0x7] =	wrdreg s0;
	s25 =	simm.s32 $0x7A00  }
.LBB2_1:
0x15: {  	s10 =	rddreg [dreg:$0x4]  }
0x16: {  	[tilespmem:s2], [sflag:$0x2] =	stream.linear.gather [hbm4b:s10+s2], $0x200, $0x38;
	[tilespmem:$0xC200] =	vst v63  }
0x17: {  	_ =	swait.ge [sflag:s8], $0x200  }
0x18: {  	[sflag:s8] =	ssyncset.done $0x0  }
0x19: {  	s0 =	rddreg [dreg:$0x8];
	[sflag:s8] =	ssyncadd.s32 $0xFFFFFE00  }
0x1a: {  	[tilespmem:s9], [sflag:$0x2] =	stream.linear.gather [hbm4b:s0+s2], $0xC000, $0x38;
	[tilespmem:$0xC200] =	vst v63  }
0x1b: {  	_ =	swait.ge [sflag:s8], $0xC000  }
0x1c: {  	[sflag:s8] =	ssyncset.done $0x0  }
0x1d: {  	[sflag:s8] =	ssyncadd.s32 $0xFFFF4000  }
0x1e: {  	v3 =	vld [tilespmem:$0x0];
	_ =	sdelay $0x4  }
0x1f: {  	v4 =	vshrl.u32 v3, $0x3  }
0x20: {  	v4 =	vmul.u32 $0x30, v4  }
0x21: {  	v3 =	vand.u32 $0x7, v3  }
0x22: {  	v3 =	vor.u32 v3, v4  }
0x23: {  	v4 =	vperm.xlane v3, v0;
	_ =	sdelay $0x1  }
0x24: {  	v4 =	vadd.s32 v1, v4;
	_ =	sdelay $0x3  }
0x25: {  	v3 =	vperm.xlane v3, v2  }
0x26: {  	[hbm4b:s3+s2] =	stream.indirect_vreg.scatter [tilespmem:s9], [sflag:$0x1], $0x80, v4, vm0, $0xb8;
	[tilespmem:$0xC200] =	vst v63  }
0x27: {  	v3 =	vadd.s32 v1, v3  }
0x28: {  	[hbm4b:s5+s2] =	stream.indirect_vreg.scatter [tilespmem:s11], [sflag:$0x1], $0x80, v4, vm0, $0xb8;
	[tilespmem:$0xC200] =	vst v63  }
0x29: {  	_ = 	snop  }
0x2a: {  	[hbm4b:s6+s2] =	stream.indirect_vreg.scatter [tilespmem:s12], [sflag:$0x1], $0x80, v4, vm0, $0xb8;
	[tilespmem:$0xC200] =	vst v63  }
0x2b: {  	_ = 	snop  }
0x2c: {  	[hbm4b:s3+s2] =	stream.indirect_vreg.scatter [tilespmem:s13], [sflag:$0x1], $0x80, v3, vm0, $0xb8;
	[tilespmem:$0xC200] =	vst v63  }
0x2d: {  	_ = 	snop  }
0x2e: {  	[hbm4b:s5+s2] =	stream.indirect_vreg.scatter [tilespmem:s14], [sflag:$0x1], $0x80, v3, vm0, $0xb8;
	[tilespmem:$0xC200] =	vst v63  }
0x2f: {  	_ = 	snop  }
0x30: {  	[hbm4b:s6+s2] =	stream.indirect_vreg.scatter [tilespmem:s15], [sflag:$0x1], $0x80, v3, vm0, $0xb8;
	[tilespmem:$0xC200] =	vst v63  }
0x31: {  	v3 =	vld [tilespmem:$0x10];
	_ =	sdelay $0x4  }
0x32: {  	v49 =	vshrl.u32 v3, $0x3  }
0x33: {  	v4 =	vmul.u32 $0x30, v49  }
0x34: {  	v3 =	vand.u32 $0x7, v3  }
0x35: {  	v3 =	vor.u32 v3, v4  }
0x36: {  	v4 =	vperm.xlane v3, v0;
	_ =	sdelay $0x1  }
0x37: {  	v4 =	vadd.s32 v1, v4;
	_ =	sdelay $0x3  }
0x38: {  	v3 =	vperm.xlane v3, v2  }
0x39: {  	[hbm4b:s3+s2] =	stream.indirect_vreg.scatter [tilespmem:s16], [sflag:$0x1], $0x80, v4, vm0, $0xb8;
	[tilespmem:$0xC200] =	vst v63  }
0x3a: {  	v3 =	vadd.s32 v1, v3  }
0x3b: {  	[hbm4b:s5+s2] =	stream.indirect_vreg.scatter [tilespmem:s17], [sflag:$0x1], $0x80, v4, vm0, $0xb8;
	[tilespmem:$0xC200] =	vst v63  }
0x3c: {  	_ = 	snop  }
0x3d: {  	[hbm4b:s6+s2] =	stream.indirect_vreg.scatter [tilespmem:s18], [sflag:$0x1], $0x80, v4, vm0, $0xb8;
	[tilespmem:$0xC200] =	vst v63  }
0x3e: {  	_ = 	snop  }
0x3f: {  	[hbm4b:s3+s2] =	stream.indirect_vreg.scatter [tilespmem:s19], [sflag:$0x1], $0x80, v3, vm0, $0xb8;
	[tilespmem:$0xC200] =	vst v63  }
0x40: {  	_ = 	snop  }
0x41: {  	[hbm4b:s5+s2] =	stream.indirect_vreg.scatter [tilespmem:s20], [sflag:$0x1], $0x80, v3, vm0, $0xb8;
	[tilespmem:$0xC200] =	vst v63  }
0x42: {  	_ = 	snop  }
0x43: {  	[hbm4b:s6+s2] =	stream.indirect_vreg.scatter [tilespmem:s21], [sflag:$0x1], $0x80, v3, vm0, $0xb8;
	[tilespmem:$0xC200] =	vst v63  }
0x44: {  	v3 =	vld [tilespmem:$0x20];
	_ =	sdelay $0x4  }
0x45: {  	v50 =	vshrl.u32 v3, $0x3  }
0x46: {  	v4 =	vmul.u32 $0x30, v50  }
0x47: {  	v3 =	vand.u32 $0x7, v3  }
0x48: {  	v3 =	vor.u32 v3, v4  }
0x49: {  	v4 =	vperm.xlane v3, v0;
	_ =	sdelay $0x1  }
0x4a: {  	v4 =	vadd.s32 v1, v4;
	_ =	sdelay $0x3  }
0x4b: {  	v3 =	vperm.xlane v3, v2  }
0x4c: {  	[hbm4b:s3+s2] =	stream.indirect_vreg.scatter [tilespmem:s22], [sflag:$0x1], $0x80, v4, vm0, $0xb8;
	[tilespmem:$0xC200] =	vst v63  }
0x4d: {  	v3 =	vadd.s32 v1, v3  }
0x4e: {  	[hbm4b:s5+s2] =	stream.indirect_vreg.scatter [tilespmem:s23], [sflag:$0x1], $0x80, v4, vm0, $0xb8;
	[tilespmem:$0xC200] =	vst v63  }
0x4f: {  	_ = 	snop  }
0x50: {  	[hbm4b:s6+s2] =	stream.indirect_vreg.scatter [tilespmem:s24], [sflag:$0x1], $0x80, v4, vm0, $0xb8;
	[tilespmem:$0xC200] =	vst v63  }
0x51: {  	_ = 	snop  }
0x52: {  	[hbm4b:s3+s2] =	stream.indirect_vreg.scatter [tilespmem:s25], [sflag:$0x1], $0x80, v3, vm0, $0xb8;
	[tilespmem:$0xC200] =	vst v63  }
0x53: {  	_ = 	snop  }
0x54: {  	[hbm4b:s5+s2] =	stream.indirect_vreg.scatter [tilespmem:s26], [sflag:$0x1], $0x80, v3, vm0, $0xb8;
	[tilespmem:$0xC200] =	vst v63  }
0x55: {  	_ = 	snop  }
0x56: {  	[hbm4b:s6+s2] =	stream.indirect_vreg.scatter [tilespmem:s28], [sflag:$0x1], $0x80, v3, vm0, $0xb8;
	[tilespmem:$0xC200] =	vst v63  }
0x57: {  	v3 =	vld [tilespmem:$0x30];
	_ =	sdelay $0x4  }
0x58: {  	v51 =	vshrl.u32 v3, $0x3  }
0x59: {  	v4 =	vmul.u32 $0x30, v51  }
0x5a: {  	v3 =	vand.u32 $0x7, v3  }
0x5b: {  	v3 =	vor.u32 v3, v4  }
0x5c: {  	v4 =	vperm.xlane v3, v0;
	_ =	sdelay $0x1  }
0x5d: {  	v4 =	vadd.s32 v1, v4;
	_ =	sdelay $0x3  }
0x5e: {  	v3 =	vperm.xlane v3, v2  }
0x5f: {  	[hbm4b:s3+s2] =	stream.indirect_vreg.scatter [tilespmem:s29], [sflag:$0x1], $0x80, v4, vm0, $0xb8;
	[tilespmem:$0xC200] =	vst v63  }
0x60: {  	v3 =	vadd.s32 v1, v3  }
0x61: {  	[hbm4b:s5+s2] =	stream.indirect_vreg.scatter [tilespmem:s30], [sflag:$0x1], $0x80, v4, vm0, $0xb8;
	[tilespmem:$0xC200] =	vst v63  }
0x62: {  	_ = 	snop  }
0x63: {  	[hbm4b:s6+s2] =	stream.indirect_vreg.scatter [tilespmem:s31], [sflag:$0x1], $0x80, v4, vm0, $0xb8;
	[tilespmem:$0xC200] =	vst v63  }
0x64: {  	_ = 	snop  }
0x65: {  	[hbm4b:s3+s2] =	stream.indirect_vreg.scatter [tilespmem:s1], [sflag:$0x1], $0x80, v3, vm0, $0xb8;
	[tilespmem:$0xC200] =	vst v63  }
0x66: {  	s0 =	simm.s32 $0xB200  }
0x67: {  	[hbm4b:s5+s2] =	stream.indirect_vreg.scatter [tilespmem:s0], [sflag:$0x1], $0x80, v3, vm0, $0xb8;
	[tilespmem:$0xC200] =	vst v63  }
0x68: {  	s10 =	simm.s32 $0xBA00  }
0x69: {  	[hbm4b:s6+s2] =	stream.indirect_vreg.scatter [tilespmem:s10], [sflag:$0x1], $0x80, v3, vm0, $0xb8;
	[tilespmem:$0xC200] =	vst v63  }
0x6a: {  	_ =	swait.ge [sflag:s4], $0xC000  }
0x6b: {  	[sflag:s4] =	ssyncset.done $0x0  }
0x6c: {  	s10 =	rddreg [dreg:$0x5];
	[sflag:s4] =	ssyncadd.s32 $0xFFFF4000  }
0x6d: {  	[tilespmem:s9], [sflag:$0x2] =	stream.linear.gather [hbm4b:s10+s2], $0xC000, $0x38;
	[tilespmem:$0xC200] =	vst v63  }
0x6e: {  	_ =	swait.ge [sflag:s8], $0xC000  }
0x6f: {  	[sflag:s8] =	ssyncset.done $0x0  }
0x70: {  	[sflag:s8] =	ssyncadd.s32 $0xFFFF4000  }
0x71: {  	v3 =	vld [tilespmem:$0x80];
	_ =	sdelay $0x4  }
0x72: {  	v52 =	vshrl.u32 v3, $0x3  }
0x73: {  	v4 =	vmul.u32 $0x30, v52  }
0x74: {  	v3 =	vand.u32 $0x7, v3  }
0x75: {  	v3 =	vor.u32 v3, v4  }
0x76: {  	v4 =	vperm.xlane v3, v0;
	_ =	sdelay $0x1  }
0x77: {  	v4 =	vadd.s32 v1, v4;
	_ =	sdelay $0x3  }
0x78: {  	v3 =	vperm.xlane v3, v2  }
0x79: {  	[hbm4b:s3+s2] =	stream.indirect_vreg.scatter [tilespmem:s9], [sflag:$0x1], $0x80, v4, vm0, $0xb8;
	[tilespmem:$0xC200] =	vst v63  }
0x7a: {  	v3 =	vadd.s32 v1, v3  }
0x7b: {  	[hbm4b:s5+s2] =	stream.indirect_vreg.scatter [tilespmem:s11], [sflag:$0x1], $0x80, v4, vm0, $0xb8;
	[tilespmem:$0xC200] =	vst v63  }
0x7c: {  	_ = 	snop  }
0x7d: {  	[hbm4b:s6+s2] =	stream.indirect_vreg.scatter [tilespmem:s12], [sflag:$0x1], $0x80, v4, vm0, $0xb8;
	[tilespmem:$0xC200] =	vst v63  }
0x7e: {  	_ = 	snop  }
0x7f: {  	[hbm4b:s3+s2] =	stream.indirect_vreg.scatter [tilespmem:s13], [sflag:$0x1], $0x80, v3, vm0, $0xb8;
	[tilespmem:$0xC200] =	vst v63  }
0x80: {  	_ = 	snop  }
0x81: {  	[hbm4b:s5+s2] =	stream.indirect_vreg.scatter [tilespmem:s14], [sflag:$0x1], $0x80, v3, vm0, $0xb8;
	[tilespmem:$0xC200] =	vst v63  }
0x82: {  	_ = 	snop  }
0x83: {  	[hbm4b:s6+s2] =	stream.indirect_vreg.scatter [tilespmem:s15], [sflag:$0x1], $0x80, v3, vm0, $0xb8;
	[tilespmem:$0xC200] =	vst v63  }
0x84: {  	v3 =	vld [tilespmem:$0x90];
	_ =	sdelay $0x4  }
0x85: {  	v53 =	vshrl.u32 v3, $0x3  }
0x86: {  	v4 =	vmul.u32 $0x30, v53  }
0x87: {  	v3 =	vand.u32 $0x7, v3  }
0x88: {  	v3 =	vor.u32 v3, v4  }
0x89: {  	v4 =	vperm.xlane v3, v0;
	_ =	sdelay $0x1  }
0x8a: {  	v4 =	vadd.s32 v1, v4;
	_ =	sdelay $0x3  }
0x8b: {  	v3 =	vperm.xlane v3, v2  }
0x8c: {  	[hbm4b:s3+s2] =	stream.indirect_vreg.scatter [tilespmem:s16], [sflag:$0x1], $0x80, v4, vm0, $0xb8;
	[tilespmem:$0xC200] =	vst v63  }
0x8d: {  	v3 =	vadd.s32 v1, v3  }
0x8e: {  	[hbm4b:s5+s2] =	stream.indirect_vreg.scatter [tilespmem:s17], [sflag:$0x1], $0x80, v4, vm0, $0xb8;
	[tilespmem:$0xC200] =	vst v63  }
0x8f: {  	_ = 	snop  }
0x90: {  	[hbm4b:s6+s2] =	stream.indirect_vreg.scatter [tilespmem:s18], [sflag:$0x1], $0x80, v4, vm0, $0xb8;
	[tilespmem:$0xC200] =	vst v63  }
0x91: {  	_ = 	snop  }
0x92: {  	[hbm4b:s3+s2] =	stream.indirect_vreg.scatter [tilespmem:s19], [sflag:$0x1], $0x80, v3, vm0, $0xb8;
	[tilespmem:$0xC200] =	vst v63  }
0x93: {  	_ = 	snop  }
0x94: {  	[hbm4b:s5+s2] =	stream.indirect_vreg.scatter [tilespmem:s20], [sflag:$0x1], $0x80, v3, vm0, $0xb8;
	[tilespmem:$0xC200] =	vst v63  }
0x95: {  	_ = 	snop  }
0x96: {  	[hbm4b:s6+s2] =	stream.indirect_vreg.scatter [tilespmem:s21], [sflag:$0x1], $0x80, v3, vm0, $0xb8;
	[tilespmem:$0xC200] =	vst v63  }
0x97: {  	v3 =	vld [tilespmem:$0xA0];
	_ =	sdelay $0x4  }
0x98: {  	v54 =	vshrl.u32 v3, $0x3  }
0x99: {  	v4 =	vmul.u32 $0x30, v54  }
0x9a: {  	v3 =	vand.u32 $0x7, v3  }
0x9b: {  	v3 =	vor.u32 v3, v4  }
0x9c: {  	v4 =	vperm.xlane v3, v0;
	_ =	sdelay $0x1  }
0x9d: {  	v4 =	vadd.s32 v1, v4;
	_ =	sdelay $0x3  }
0x9e: {  	v3 =	vperm.xlane v3, v2  }
0x9f: {  	[hbm4b:s3+s2] =	stream.indirect_vreg.scatter [tilespmem:s22], [sflag:$0x1], $0x80, v4, vm0, $0xb8;
	[tilespmem:$0xC200] =	vst v63  }
0xa0: {  	v3 =	vadd.s32 v1, v3  }
0xa1: {  	[hbm4b:s5+s2] =	stream.indirect_vreg.scatter [tilespmem:s23], [sflag:$0x1], $0x80, v4, vm0, $0xb8;
	[tilespmem:$0xC200] =	vst v63  }
0xa2: {  	_ = 	snop  }
0xa3: {  	[hbm4b:s6+s2] =	stream.indirect_vreg.scatter [tilespmem:s24], [sflag:$0x1], $0x80, v4, vm0, $0xb8;
	[tilespmem:$0xC200] =	vst v63  }
0xa4: {  	_ = 	snop  }
0xa5: {  	[hbm4b:s3+s2] =	stream.indirect_vreg.scatter [tilespmem:s25], [sflag:$0x1], $0x80, v3, vm0, $0xb8;
	[tilespmem:$0xC200] =	vst v63  }
0xa6: {  	_ = 	snop  }
0xa7: {  	[hbm4b:s5+s2] =	stream.indirect_vreg.scatter [tilespmem:s26], [sflag:$0x1], $0x80, v3, vm0, $0xb8;
	[tilespmem:$0xC200] =	vst v63  }
0xa8: {  	_ = 	snop  }
0xa9: {  	[hbm4b:s6+s2] =	stream.indirect_vreg.scatter [tilespmem:s28], [sflag:$0x1], $0x80, v3, vm0, $0xb8;
	[tilespmem:$0xC200] =	vst v63  }
0xaa: {  	v3 =	vld [tilespmem:$0xB0];
	_ =	sdelay $0x4  }
0xab: {  	v55 =	vshrl.u32 v3, $0x3  }
0xac: {  	v4 =	vmul.u32 $0x30, v55  }
0xad: {  	v3 =	vand.u32 $0x7, v3  }
0xae: {  	v3 =	vor.u32 v3, v4  }
0xaf: {  	v4 =	vperm.xlane v3, v0;
	_ =	sdelay $0x1  }
0xb0: {  	v4 =	vadd.s32 v1, v4;
	_ =	sdelay $0x3  }
0xb1: {  	v3 =	vperm.xlane v3, v2  }
0xb2: {  	[hbm4b:s3+s2] =	stream.indirect_vreg.scatter [tilespmem:s29], [sflag:$0x1], $0x80, v4, vm0, $0xb8;
	[tilespmem:$0xC200] =	vst v63  }
0xb3: {  	v3 =	vadd.s32 v1, v3  }
0xb4: {  	[hbm4b:s5+s2] =	stream.indirect_vreg.scatter [tilespmem:s30], [sflag:$0x1], $0x80, v4, vm0, $0xb8;
	[tilespmem:$0xC200] =	vst v63  }
0xb5: {  	_ = 	snop  }
0xb6: {  	[hbm4b:s6+s2] =	stream.indirect_vreg.scatter [tilespmem:s31], [sflag:$0x1], $0x80, v4, vm0, $0xb8;
	[tilespmem:$0xC200] =	vst v63  }
0xb7: {  	_ = 	snop  }
0xb8: {  	[hbm4b:s3+s2] =	stream.indirect_vreg.scatter [tilespmem:s1], [sflag:$0x1], $0x80, v3, vm0, $0xb8;
	[tilespmem:$0xC200] =	vst v63  }
0xb9: {  	_ = 	snop  }
0xba: {  	[hbm4b:s5+s2] =	stream.indirect_vreg.scatter [tilespmem:s0], [sflag:$0x1], $0x80, v3, vm0, $0xb8;
	[tilespmem:$0xC200] =	vst v63  }
0xbb: {  	s10 =	simm.s32 $0xBA00  }
0xbc: {  	[hbm4b:s6+s2] =	stream.indirect_vreg.scatter [tilespmem:s10], [sflag:$0x1], $0x80, v3, vm0, $0xb8;
	[tilespmem:$0xC200] =	vst v63  }
0xbd: {  	_ =	swait.ge [sflag:s4], $0xC000  }
0xbe: {  	[sflag:s4] =	ssyncset.done $0x0  }
0xbf: {  	s10 =	rddreg [dreg:$0x6];
	[sflag:s4] =	ssyncadd.s32 $0xFFFF4000  }
0xc0: {  	[tilespmem:s9], [sflag:$0x2] =	stream.linear.gather [hbm4b:s10+s2], $0xC000, $0x38;
	[tilespmem:$0xC200] =	vst v63  }
0xc1: {  	_ =	swait.ge [sflag:s8], $0xC000  }
0xc2: {  	[sflag:s8] =	ssyncset.done $0x0  }
0xc3: {  	[sflag:s8] =	ssyncadd.s32 $0xFFFF4000  }
0xc4: {  	v3 =	vld [tilespmem:$0x100];
	_ =	sdelay $0x4  }
0xc5: {  	v56 =	vshrl.u32 v3, $0x3  }
0xc6: {  	v4 =	vmul.u32 $0x30, v56  }
0xc7: {  	v3 =	vand.u32 $0x7, v3  }
0xc8: {  	v3 =	vor.u32 v3, v4  }
0xc9: {  	v4 =	vperm.xlane v3, v0;
	_ =	sdelay $0x1  }
0xca: {  	v4 =	vadd.s32 v1, v4;
	_ =	sdelay $0x3  }
0xcb: {  	v3 =	vperm.xlane v3, v2  }
0xcc: {  	[hbm4b:s3+s2] =	stream.indirect_vreg.scatter [tilespmem:s9], [sflag:$0x1], $0x80, v4, vm0, $0xb8;
	[tilespmem:$0xC200] =	vst v63  }
0xcd: {  	v3 =	vadd.s32 v1, v3  }
0xce: {  	[hbm4b:s5+s2] =	stream.indirect_vreg.scatter [tilespmem:s11], [sflag:$0x1], $0x80, v4, vm0, $0xb8;
	[tilespmem:$0xC200] =	vst v63  }
0xcf: {  	_ = 	snop  }
0xd0: {  	[hbm4b:s6+s2] =	stream.indirect_vreg.scatter [tilespmem:s12], [sflag:$0x1], $0x80, v4, vm0, $0xb8;
	[tilespmem:$0xC200] =	vst v63  }
0xd1: {  	_ = 	snop  }
0xd2: {  	[hbm4b:s3+s2] =	stream.indirect_vreg.scatter [tilespmem:s13], [sflag:$0x1], $0x80, v3, vm0, $0xb8;
	[tilespmem:$0xC200] =	vst v63  }
0xd3: {  	_ = 	snop  }
0xd4: {  	[hbm4b:s5+s2] =	stream.indirect_vreg.scatter [tilespmem:s14], [sflag:$0x1], $0x80, v3, vm0, $0xb8;
	[tilespmem:$0xC200] =	vst v63  }
0xd5: {  	_ = 	snop  }
0xd6: {  	[hbm4b:s6+s2] =	stream.indirect_vreg.scatter [tilespmem:s15], [sflag:$0x1], $0x80, v3, vm0, $0xb8;
	[tilespmem:$0xC200] =	vst v63  }
0xd7: {  	v3 =	vld [tilespmem:$0x110];
	_ =	sdelay $0x4  }
0xd8: {  	v57 =	vshrl.u32 v3, $0x3  }
0xd9: {  	v4 =	vmul.u32 $0x30, v57  }
0xda: {  	v3 =	vand.u32 $0x7, v3  }
0xdb: {  	v3 =	vor.u32 v3, v4  }
0xdc: {  	v4 =	vperm.xlane v3, v0;
	_ =	sdelay $0x1  }
0xdd: {  	v4 =	vadd.s32 v1, v4;
	_ =	sdelay $0x3  }
0xde: {  	v3 =	vperm.xlane v3, v2  }
0xdf: {  	[hbm4b:s3+s2] =	stream.indirect_vreg.scatter [tilespmem:s16], [sflag:$0x1], $0x80, v4, vm0, $0xb8;
	[tilespmem:$0xC200] =	vst v63  }
0xe0: {  	v3 =	vadd.s32 v1, v3  }
0xe1: {  	[hbm4b:s5+s2] =	stream.indirect_vreg.scatter [tilespmem:s17], [sflag:$0x1], $0x80, v4, vm0, $0xb8;
	[tilespmem:$0xC200] =	vst v63  }
0xe2: {  	_ = 	snop  }
0xe3: {  	[hbm4b:s6+s2] =	stream.indirect_vreg.scatter [tilespmem:s18], [sflag:$0x1], $0x80, v4, vm0, $0xb8;
	[tilespmem:$0xC200] =	vst v63  }
0xe4: {  	_ = 	snop  }
0xe5: {  	[hbm4b:s3+s2] =	stream.indirect_vreg.scatter [tilespmem:s19], [sflag:$0x1], $0x80, v3, vm0, $0xb8;
	[tilespmem:$0xC200] =	vst v63  }
0xe6: {  	_ = 	snop  }
0xe7: {  	[hbm4b:s5+s2] =	stream.indirect_vreg.scatter [tilespmem:s20], [sflag:$0x1], $0x80, v3, vm0, $0xb8;
	[tilespmem:$0xC200] =	vst v63  }
0xe8: {  	_ = 	snop  }
0xe9: {  	[hbm4b:s6+s2] =	stream.indirect_vreg.scatter [tilespmem:s21], [sflag:$0x1], $0x80, v3, vm0, $0xb8;
	[tilespmem:$0xC200] =	vst v63  }
0xea: {  	v3 =	vld [tilespmem:$0x120];
	_ =	sdelay $0x4  }
0xeb: {  	v58 =	vshrl.u32 v3, $0x3  }
0xec: {  	v4 =	vmul.u32 $0x30, v58  }
0xed: {  	v3 =	vand.u32 $0x7, v3  }
0xee: {  	v3 =	vor.u32 v3, v4  }
0xef: {  	v4 =	vperm.xlane v3, v0;
	_ =	sdelay $0x1  }
0xf0: {  	v4 =	vadd.s32 v1, v4;
	_ =	sdelay $0x3  }
0xf1: {  	v3 =	vperm.xlane v3, v2  }
0xf2: {  	[hbm4b:s3+s2] =	stream.indirect_vreg.scatter [tilespmem:s22], [sflag:$0x1], $0x80, v4, vm0, $0xb8;
	[tilespmem:$0xC200] =	vst v63  }
0xf3: {  	v3 =	vadd.s32 v1, v3  }
0xf4: {  	[hbm4b:s5+s2] =	stream.indirect_vreg.scatter [tilespmem:s23], [sflag:$0x1], $0x80, v4, vm0, $0xb8;
	[tilespmem:$0xC200] =	vst v63  }
0xf5: {  	_ = 	snop  }
0xf6: {  	[hbm4b:s6+s2] =	stream.indirect_vreg.scatter [tilespmem:s24], [sflag:$0x1], $0x80, v4, vm0, $0xb8;
	[tilespmem:$0xC200] =	vst v63  }
0xf7: {  	_ = 	snop  }
0xf8: {  	[hbm4b:s3+s2] =	stream.indirect_vreg.scatter [tilespmem:s25], [sflag:$0x1], $0x80, v3, vm0, $0xb8;
	[tilespmem:$0xC200] =	vst v63  }
0xf9: {  	_ = 	snop  }
0xfa: {  	[hbm4b:s5+s2] =	stream.indirect_vreg.scatter [tilespmem:s26], [sflag:$0x1], $0x80, v3, vm0, $0xb8;
	[tilespmem:$0xC200] =	vst v63  }
0xfb: {  	_ = 	snop  }
0xfc: {  	[hbm4b:s6+s2] =	stream.indirect_vreg.scatter [tilespmem:s28], [sflag:$0x1], $0x80, v3, vm0, $0xb8;
	[tilespmem:$0xC200] =	vst v63  }
0xfd: {  	v3 =	vld [tilespmem:$0x130];
	_ =	sdelay $0x4  }
0xfe: {  	v59 =	vshrl.u32 v3, $0x3  }
0xff: {  	v4 =	vmul.u32 $0x30, v59  }
0x100: {  	v3 =	vand.u32 $0x7, v3  }
0x101: {  	v3 =	vor.u32 v3, v4  }
0x102: {  	v4 =	vperm.xlane v3, v0;
	_ =	sdelay $0x1  }
0x103: {  	v4 =	vadd.s32 v1, v4;
	_ =	sdelay $0x3  }
0x104: {  	v3 =	vperm.xlane v3, v2  }
0x105: {  	[hbm4b:s3+s2] =	stream.indirect_vreg.scatter [tilespmem:s29], [sflag:$0x1], $0x80, v4, vm0, $0xb8;
	[tilespmem:$0xC200] =	vst v63  }
0x106: {  	v3 =	vadd.s32 v1, v3  }
0x107: {  	[hbm4b:s5+s2] =	stream.indirect_vreg.scatter [tilespmem:s30], [sflag:$0x1], $0x80, v4, vm0, $0xb8;
	[tilespmem:$0xC200] =	vst v63  }
0x108: {  	_ = 	snop  }
0x109: {  	[hbm4b:s6+s2] =	stream.indirect_vreg.scatter [tilespmem:s31], [sflag:$0x1], $0x80, v4, vm0, $0xb8;
	[tilespmem:$0xC200] =	vst v63  }
0x10a: {  	_ = 	snop  }
0x10b: {  	[hbm4b:s3+s2] =	stream.indirect_vreg.scatter [tilespmem:s1], [sflag:$0x1], $0x80, v3, vm0, $0xb8;
	[tilespmem:$0xC200] =	vst v63  }
0x10c: {  	_ = 	snop  }
0x10d: {  	[hbm4b:s5+s2] =	stream.indirect_vreg.scatter [tilespmem:s0], [sflag:$0x1], $0x80, v3, vm0, $0xb8;
	[tilespmem:$0xC200] =	vst v63  }
0x10e: {  	s10 =	simm.s32 $0xBA00  }
0x10f: {  	[hbm4b:s6+s2] =	stream.indirect_vreg.scatter [tilespmem:s10], [sflag:$0x1], $0x80, v3, vm0, $0xb8;
	[tilespmem:$0xC200] =	vst v63  }
0x110: {  	_ =	swait.ge [sflag:s4], $0xC000  }
0x111: {  	[sflag:s4] =	ssyncset.done $0x0  }
0x112: {  	s10 =	rddreg [dreg:$0x7];
	[sflag:s4] =	ssyncadd.s32 $0xFFFF4000  }
0x113: {  	[tilespmem:s9], [sflag:$0x2] =	stream.linear.gather [hbm4b:s10+s2], $0xC000, $0x38;
	[tilespmem:$0xC200] =	vst v63  }
0x114: {  	_ =	swait.ge [sflag:s8], $0xC000  }
0x115: {  	[sflag:s8] =	ssyncset.done $0x0  }
0x116: {  	[sflag:s8] =	ssyncadd.s32 $0xFFFF4000  }
0x117: {  	v3 =	vld [tilespmem:$0x180];
	_ =	sdelay $0x4  }
0x118: {  	v60 =	vshrl.u32 v3, $0x3  }
0x119: {  	v4 =	vmul.u32 $0x30, v60  }
0x11a: {  	v3 =	vand.u32 $0x7, v3  }
0x11b: {  	v3 =	vor.u32 v3, v4  }
0x11c: {  	v4 =	vperm.xlane v3, v0;
	_ =	sdelay $0x1  }
0x11d: {  	v4 =	vadd.s32 v1, v4;
	_ =	sdelay $0x3  }
0x11e: {  	v3 =	vperm.xlane v3, v2  }
0x11f: {  	[hbm4b:s3+s2] =	stream.indirect_vreg.scatter [tilespmem:s9], [sflag:$0x1], $0x80, v4, vm0, $0xb8;
	[tilespmem:$0xC200] =	vst v63  }
0x120: {  	v3 =	vadd.s32 v1, v3  }
0x121: {  	[hbm4b:s5+s2] =	stream.indirect_vreg.scatter [tilespmem:s11], [sflag:$0x1], $0x80, v4, vm0, $0xb8;
	[tilespmem:$0xC200] =	vst v63  }
0x122: {  	_ = 	snop  }
0x123: {  	[hbm4b:s6+s2] =	stream.indirect_vreg.scatter [tilespmem:s12], [sflag:$0x1], $0x80, v4, vm0, $0xb8;
	[tilespmem:$0xC200] =	vst v63  }
0x124: {  	_ = 	snop  }
0x125: {  	[hbm4b:s3+s2] =	stream.indirect_vreg.scatter [tilespmem:s13], [sflag:$0x1], $0x80, v3, vm0, $0xb8;
	[tilespmem:$0xC200] =	vst v63  }
0x126: {  	_ = 	snop  }
0x127: {  	[hbm4b:s5+s2] =	stream.indirect_vreg.scatter [tilespmem:s14], [sflag:$0x1], $0x80, v3, vm0, $0xb8;
	[tilespmem:$0xC200] =	vst v63  }
0x128: {  	_ = 	snop  }
0x129: {  	[hbm4b:s6+s2] =	stream.indirect_vreg.scatter [tilespmem:s15], [sflag:$0x1], $0x80, v3, vm0, $0xb8;
	[tilespmem:$0xC200] =	vst v63  }
0x12a: {  	v3 =	vld [tilespmem:$0x190];
	_ =	sdelay $0x4  }
0x12b: {  	v61 =	vshrl.u32 v3, $0x3  }
0x12c: {  	v4 =	vmul.u32 $0x30, v61  }
0x12d: {  	v3 =	vand.u32 $0x7, v3  }
0x12e: {  	v3 =	vor.u32 v3, v4  }
0x12f: {  	v4 =	vperm.xlane v3, v0;
	_ =	sdelay $0x1  }
0x130: {  	v4 =	vadd.s32 v1, v4;
	_ =	sdelay $0x3  }
0x131: {  	v3 =	vperm.xlane v3, v2  }
0x132: {  	[hbm4b:s3+s2] =	stream.indirect_vreg.scatter [tilespmem:s16], [sflag:$0x1], $0x80, v4, vm0, $0xb8;
	[tilespmem:$0xC200] =	vst v63  }
0x133: {  	v3 =	vadd.s32 v1, v3  }
0x134: {  	[hbm4b:s5+s2] =	stream.indirect_vreg.scatter [tilespmem:s17], [sflag:$0x1], $0x80, v4, vm0, $0xb8;
	[tilespmem:$0xC200] =	vst v63  }
0x135: {  	_ = 	snop  }
0x136: {  	[hbm4b:s6+s2] =	stream.indirect_vreg.scatter [tilespmem:s18], [sflag:$0x1], $0x80, v4, vm0, $0xb8;
	[tilespmem:$0xC200] =	vst v63  }
0x137: {  	_ = 	snop  }
0x138: {  	[hbm4b:s3+s2] =	stream.indirect_vreg.scatter [tilespmem:s19], [sflag:$0x1], $0x80, v3, vm0, $0xb8;
	[tilespmem:$0xC200] =	vst v63  }
0x139: {  	_ = 	snop  }
0x13a: {  	[hbm4b:s5+s2] =	stream.indirect_vreg.scatter [tilespmem:s20], [sflag:$0x1], $0x80, v3, vm0, $0xb8;
	[tilespmem:$0xC200] =	vst v63  }
0x13b: {  	_ = 	snop  }
0x13c: {  	[hbm4b:s6+s2] =	stream.indirect_vreg.scatter [tilespmem:s21], [sflag:$0x1], $0x80, v3, vm0, $0xb8;
	[tilespmem:$0xC200] =	vst v63  }
0x13d: {  	v3 =	vld [tilespmem:$0x1A0];
	_ =	sdelay $0x4  }
0x13e: {  	v62 =	vshrl.u32 v3, $0x3  }
0x13f: {  	v4 =	vmul.u32 $0x30, v62  }
0x140: {  	v3 =	vand.u32 $0x7, v3  }
0x141: {  	v3 =	vor.u32 v3, v4  }
0x142: {  	v4 =	vperm.xlane v3, v0;
	_ =	sdelay $0x1  }
0x143: {  	v4 =	vadd.s32 v1, v4;
	_ =	sdelay $0x3  }
0x144: {  	v3 =	vperm.xlane v3, v2  }
0x145: {  	[hbm4b:s3+s2] =	stream.indirect_vreg.scatter [tilespmem:s22], [sflag:$0x1], $0x80, v4, vm0, $0xb8;
	[tilespmem:$0xC200] =	vst v63  }
0x146: {  	v3 =	vadd.s32 v1, v3  }
0x147: {  	[hbm4b:s5+s2] =	stream.indirect_vreg.scatter [tilespmem:s23], [sflag:$0x1], $0x80, v4, vm0, $0xb8;
	[tilespmem:$0xC200] =	vst v63  }
0x148: {  	_ = 	snop  }
0x149: {  	[hbm4b:s6+s2] =	stream.indirect_vreg.scatter [tilespmem:s24], [sflag:$0x1], $0x80, v4, vm0, $0xb8;
	[tilespmem:$0xC200] =	vst v63  }
0x14a: {  	_ = 	snop  }
0x14b: {  	[hbm4b:s3+s2] =	stream.indirect_vreg.scatter [tilespmem:s25], [sflag:$0x1], $0x80, v3, vm0, $0xb8;
	[tilespmem:$0xC200] =	vst v63  }
0x14c: {  	_ = 	snop  }
0x14d: {  	[hbm4b:s5+s2] =	stream.indirect_vreg.scatter [tilespmem:s26], [sflag:$0x1], $0x80, v3, vm0, $0xb8;
	[tilespmem:$0xC200] =	vst v63  }
0x14e: {  	_ = 	snop  }
0x14f: {  	[hbm4b:s6+s2] =	stream.indirect_vreg.scatter [tilespmem:s28], [sflag:$0x1], $0x80, v3, vm0, $0xb8;
	[tilespmem:$0xC200] =	vst v63  }
0x150: {  	v3 =	vld [tilespmem:$0x1B0];
	_ =	sdelay $0x4  }
0x151: {  	v63 =	vshrl.u32 v3, $0x3  }
0x152: {  	v4 =	vmul.u32 $0x30, v63  }
0x153: {  	v3 =	vand.u32 $0x7, v3  }
0x154: {  	v3 =	vor.u32 v3, v4  }
0x155: {  	v4 =	vperm.xlane v3, v0;
	_ =	sdelay $0x1  }
0x156: {  	v4 =	vadd.s32 v1, v4;
	_ =	sdelay $0x3  }
0x157: {  	v3 =	vperm.xlane v3, v2  }
0x158: {  	[hbm4b:s3+s2] =	stream.indirect_vreg.scatter [tilespmem:s29], [sflag:$0x1], $0x80, v4, vm0, $0xb8;
	[tilespmem:$0xC200] =	vst v63  }
0x159: {  	v3 =	vadd.s32 v1, v3  }
0x15a: {  	[hbm4b:s5+s2] =	stream.indirect_vreg.scatter [tilespmem:s30], [sflag:$0x1], $0x80, v4, vm0, $0xb8;
	[tilespmem:$0xC200] =	vst v63  }
0x15b: {  	_ = 	snop  }
0x15c: {  	[hbm4b:s6+s2] =	stream.indirect_vreg.scatter [tilespmem:s31], [sflag:$0x1], $0x80, v4, vm0, $0xb8;
	[tilespmem:$0xC200] =	vst v63  }
0x15d: {  	_ = 	snop  }
0x15e: {  	[hbm4b:s3+s2] =	stream.indirect_vreg.scatter [tilespmem:s1], [sflag:$0x1], $0x80, v3, vm0, $0xb8;
	[tilespmem:$0xC200] =	vst v63  }
0x15f: {  	p0 =	sne.s32 s7, $0x1  }
0x160: {  	[hbm4b:s5+s2] =	stream.indirect_vreg.scatter [tilespmem:s0], [sflag:$0x1], $0x80, v3, vm0, $0xb8;
	[tilespmem:$0xC200] =	vst v63  }
.Ltmp0:
0x161: {  	s10 =	simm.s32 $0xBA00;
	(pc) =	sbr.rel @p0 .LBB2_1-.Ltmp0, $4  }
0x162: {  	[hbm4b:s6+s2] =	stream.indirect_vreg.scatter [tilespmem:s10], [sflag:$0x1], $0x80, v3, vm0, $0xb8;
	[tilespmem:$0xC200] =	vst v63  }
0x163: {  	_ =	swait.ge [sflag:s4], $0xC000  }
0x164: {  	[sflag:s4] =	ssyncset.done $0x0  }
0x165: {  	s7 =	sadd.s32 $0xFFFFFFFF, s7;
	[sflag:s4] =	ssyncadd.s32 $0xFFFF4000  }
0x166: {  	_ =	sfence.sel $0x180000  }
0x167: {  	[bflag:$0x0] =	sbarrier.arrive $0xFFFF  }
0x168: {  	_ =	strace $0x90000047  }
0x169: {  	s0 =	stileid.u32;
	[bflag:$0x2] =	sbarrier.arrive $0xFFFF  }
0x16a: {  	p0 =	sne.s32 s0, $0x0;
	s0 =	rddreg [dreg:$0x3]  }
0x16b: {  	s0 =	sadd.s32 @!p0 $0x100000, s0  }
0x16c: {  	[sflag:s0] =	ssyncadd.tile.s32 @!p0 $0x1;
	_ =	shalt  }
.Lfunc_end2:
_tile_overlayer_lowered:
.L_overlay_start_2:
0x16d: {  	(tag) =	ssettag $0x2  }
0x16e: {  	s0 =	rddreg [dreg:$0x0];
	s2 =	stileid.u32  }
0x16f: {  	s1 =	rddreg [dreg:$0x1];
	p0 =	sne.s32 s2, $0x0  }
0x170: {  	s3 =	rddreg [dreg:$0x2];
	[bflag:$0x3] =	sbarrier.arrive $0xFFFF;
	s2 =	simm.s32 @!p0 $0x1C02  }
0x171: {  	[timem:s3], [sflag:s2] =	dma.local @!p0 [hbm:s0], s1  }
0x172: {  	s0 =	simm.s32 @!p0 $0x2  }
0x173: {  	_ =	swait.ge @!p0 [sflag:s0], s1  }
0x174: {  	s1 =	ssub.s32 @!p0 $0x0, s1;
	[sflag:s0] =	ssyncset.done @!p0 $0x0  }
0x175: {  	[sflag:s0] =	ssyncadd.s32 @!p0 s1  }
0x176: {  	[bflag:$0x3] =	sbarrier.arrive $0xFFFF  }
0x177: {  	_ =	shalt  }

// kernel: kernel.9.cloned.1.call-start
scs
__scs_entry_jumppad:
0x0: {  	(pc) =	sbr.rel $0x88, $3  }
0x1: {  	(tag) =	ssettag $0x0;
	lr =	simm.s32 $0x1  }
0x2: {  	[smem:$0x3F9A] =	sst lr;
	_ =	strace $0xD0000000  }
0x3: {  	_ = 	snop  }
0x4: {  	_ = 	snop  }
0x5: {  	_ = 	snop  }
0x6: {  	_ = 	snop  }
0x7: {  	_ = 	snop  }
__scs_overlays_trampoline_lowered:
0x8: {  	[smem:$0x3FA9] =	sst s0  }
0x9: {  	[smem:$0x3FAA] =	sst s1  }
0xa: {  	[smem:$0x3FAB] =	sst s2  }
0xb: {  	[smem:$0x3FAC] =	sst s3  }
0xc: {  	[smem:$0x3FAD] =	sst s4  }
0xd: {  	[smem:$0x3FAE] =	sst s5  }
0xe: {  	[smem:$0x3FAF] =	sst s6  }
0xf: {  	[smem:$0x3FB0] =	sst s7  }
0x10: {  	[smem:$0x3FB1] =	sst s8  }
0x11: {  	[smem:$0x3FB2] =	sst s9;
	s0 =	simm.s32 @!p0 $0x0  }
0x12: {  	s1 =	sld [smem:$0x3F98];
	s0 =	simm.s32 @p0 $0x1  }
0x13: {  	[smem:$0x3FB3] =	sst s0;
	s0 =	simm.s32 @!p1 $0x0  }
0x14: {  	s2 =	sld [smem:$0x3F97];
	s0 =	simm.s32 @p1 $0x1  }
0x15: {  	[smem:$0x3FB4] =	sst s0;
	s0 =	simm.s32 @!p2 $0x0  }
0x16: {  	s3 =	sld [smem:$0x3FDB];
	s0 =	simm.s32 @p2 $0x1  }
0x17: {  	s4 =	simm.s32 $0x1BF5;
	[smem:$0x3FB6] =	sst s0  }
0x18: {  	s0 =	sld [smem:$0x3F99];
	_ =	swait.ge [sflag:s4], $0x0  }
0x19: {  	s7 =	sld [smem:$0x3F9A]  }
0x1a: {  	s8 =	sadd.s32 $0xFFFFE003, lr  }
0x1b: {  	s9 =	sadd.s32 $0xFFFFFEF7, lr;
	s5 =	simm.s32 $0xFFFFFFFF;
	p2 =	slt.u32 s8, $0xFFFFF086  }
0x1c: {  	p1 =	slt.u32 s9, $0xF7A;
	s5 =	simm.s32 @!p2 $0x0  }
0x1d: {  	s5 =	simm.s32 @p1 $0x1;
	p0 =	seq.s32 s7, s2  }
0x1e: {  	s7 =	smul.u32 @!p0 $0xF7A, s2;
	p2 =	seq.s32 @!p0 s5, $0x0  }
0x1f: {  	s9 =	smul.u32 $0xF7A, s1;
	s8 =	simm.s32 @!p0 $0x1BF5;
	p2 =	por !p2, p0  }
0x20: {  	[sflag:s8] =	ssyncset.s32 @!p0 $0xFFFFF086;
	s6 =	sadd.s32 @!p0 s3, s7;
	s7 =	simm.s32 @!p0 $0x108  }
0x21: {  	s3 =	sadd.s32 s3, s9;
	s6 =	sadd.s32 @!p0 $0x88, s6;
	s7 =	simm.s32 @p2 $0x1082  }
0x22: {  	[simem:s7], [sflag:s8] =	dma.local @!p0 [hbm:s6], $0xF7A  }
0x23: {  	s9 =	sor.u32 $0xD0000000, s2;
	s6 =	simm.s32 $0x108;
	_ =	swait.ge @!p0 [sflag:s8], $0x0  }
0x24: {  	s3 =	sadd.s32 $0x88, s3;
	s6 =	simm.s32 @!p1 $0x1082;
	[sflag:s4] =	ssyncset.s32 $0xFFFFF086  }
0x25: {  	[simem:s6], [sflag:s4] =	dma.local [hbm:s3], $0xF7A  }
0x26: {  	[smem:$0x3F9A] =	sst s1;
	(tag) =	ssettag s2;
	_ =	strace s9  }
0x27: {  	s1 =	sld [smem:$0x3FAA]  }
0x28: {  	s2 =	sld [smem:$0x3FAB]  }
0x29: {  	s4 =	sld [smem:$0x3FAD]  }
0x2a: {  	p0 =	seq.s32 s5, $0x0;
	s5 =	sld [smem:$0x3FAE]  }
0x2b: {  	s6 =	sld [smem:$0x3FAF]  }
0x2c: {  	s7 =	sld [smem:$0x3FB0]  }
0x2d: {  	s3 =	simm.s32 $0x108;
	s8 =	sld [smem:$0x3FB1]  }
0x2e: {  	s3 =	simm.s32 @!p0 $0x1082;
	s9 =	sld [smem:$0x3FB2]  }
0x2f: {  	lr =	sadd.s32 s0, s3;
	s0 =	sld [smem:$0x3FA9]  }
0x30: {  	s3 =	sld [smem:$0x3FAC]  }
0x31: {  	[smem:$0x3FB5] =	sst s10  }
0x32: {  	s10 =	sld [smem:$0x3FB3];
	_ =	sdelay $0x3  }
0x33: {  	p0 =	seq.s32 s10, $0x1;
	s10 =	sld [smem:$0x3FB5];
	_ =	sdelay $0x3  }
0x34: {  	[smem:$0x3FB5] =	sst s10  }
0x35: {  	s10 =	sld [smem:$0x3FB4];
	_ =	sdelay $0x3  }
0x36: {  	p1 =	seq.s32 s10, $0x1;
	s10 =	sld [smem:$0x3FB5];
	_ =	sdelay $0x3  }
0x37: {  	[smem:$0x3FB5] =	sst s10  }
0x38: {  	s10 =	sld [smem:$0x3FB6]  }
0x39: {  	_ = 	snop;
	(pc) =	sbr.ind lr, $3  }
0x3a: {  	_ = 	snop  }
0x3b: {  	_ = 	snop  }
0x3c: {  	p2 =	seq.s32 s10, $0x1;
	s10 =	sld [smem:$0x3FB5]  }
0x3d: {  	_ =	shalt  }
0x3e: {  	_ =	shalt  }
0x3f: {  	_ =	shalt  }
0x40: {  	_ =	shalt  }
0x41: {  	_ =	shalt  }
0x42: {  	_ =	shalt  }
0x43: {  	_ =	shalt  }
0x44: {  	_ =	shalt  }
0x45: {  	_ =	shalt  }
0x46: {  	_ =	shalt  }
0x47: {  	_ =	shalt  }
0x48: {  	_ =	shalt  }
0x49: {  	_ =	shalt  }
0x4a: {  	_ =	shalt  }
0x4b: {  	_ =	shalt  }
0x4c: {  	_ =	shalt  }
0x4d: {  	_ =	shalt  }
0x4e: {  	_ =	shalt  }
0x4f: {  	_ =	shalt  }
0x50: {  	_ =	shalt  }
0x51: {  	_ =	shalt  }
0x52: {  	_ =	shalt  }
0x53: {  	_ =	shalt  }
0x54: {  	_ =	shalt  }
0x55: {  	_ =	shalt  }
0x56: {  	_ =	shalt  }
0x57: {  	_ =	shalt  }
0x58: {  	_ =	shalt  }
0x59: {  	_ =	shalt  }
0x5a: {  	_ =	shalt  }
0x5b: {  	_ =	shalt  }
0x5c: {  	_ =	shalt  }
0x5d: {  	_ =	shalt  }
0x5e: {  	_ =	shalt  }
0x5f: {  	_ =	shalt  }
0x60: {  	_ =	shalt  }
0x61: {  	_ =	shalt  }
0x62: {  	_ =	shalt  }
0x63: {  	_ =	shalt  }
0x64: {  	_ =	shalt  }
0x65: {  	_ =	shalt  }
0x66: {  	_ =	shalt  }
0x67: {  	_ =	shalt  }
0x68: {  	_ =	shalt  }
0x69: {  	_ =	shalt  }
0x6a: {  	_ =	shalt  }
0x6b: {  	_ =	shalt  }
0x6c: {  	_ =	shalt  }
0x6d: {  	_ =	shalt  }
0x6e: {  	_ =	shalt  }
0x6f: {  	_ =	shalt  }
0x70: {  	_ =	shalt  }
0x71: {  	_ =	shalt  }
0x72: {  	_ =	shalt  }
0x73: {  	_ =	shalt  }
0x74: {  	_ =	shalt  }
0x75: {  	_ =	shalt  }
0x76: {  	_ =	shalt  }
0x77: {  	_ =	shalt  }
0x78: {  	_ =	shalt  }
0x79: {  	_ =	shalt  }
0x7a: {  	_ =	shalt  }
0x7b: {  	_ =	shalt  }
0x7c: {  	_ =	shalt  }
0x7d: {  	_ =	shalt  }
0x7e: {  	_ =	shalt  }
0x7f: {  	_ =	shalt  }
0x80: {  	_ =	shalt  }
0x81: {  	_ =	shalt  }
0x82: {  	_ =	shalt  }
0x83: {  	_ =	shalt  }
0x84: {  	_ =	shalt  }
0x85: {  	_ =	shalt  }
0x86: {  	_ =	shalt  }
0x87: {  	_ =	shalt  }
.Lfunc_end0:
.L_simem_size_0:
called_computation.1_lowered:
.L_overlay_start_0:
0x88: {  	s2 =	sld [smem:$0x3FD9]  }
0x89: {  	s3 =	sld [smem:$0x3FFE];
	_ =	sdelay $0x1  }
0x8a: {  	s1 =	srdreg.scid  }
0x8b: {  	s0 =	sand.u32 $0x1, s1  }
0x8c: {  	s14 =	sshll.u32 s0, $0xA;
	s2 =	sadd.s32 s3, s2  }
0x8d: {  	s2 =	sadd.s32 s2, s14  }
0x8e: {  	[smem:$0x3FC1] =	sst s2  }
0x8f: {  	_ = 	snop  }
0x90: {  	s2 =	sld [smem:$0x3FD0];
	_ =	sdelay $0x2  }
0x91: {  	s15 =	simm.s32 $0xA;
	s4 =	simm.s32 $0x10  }
0x92: {  	[smem:s4], [sflag:s15] =	dma.local [hbm:s2], $0x1  }
0x93: {  	_ =	swait.eq [sflag:s15], $0x1  }
0x94: {  	[sflag:s15] =	ssyncset.done $0x0  }
0x95: {  	[sflag:s15] =	ssyncadd.s32 $0xFFFFFFFF  }
0x96: {  	s16 =	sld [smem:$0x10];
	(tm) =	ssettm $0x1  }
0x97: {  	s17 =	sld [smem:$0x3FFB];
	_ =	sdelay $0x3  }
0x98: {  	_ =	strace s17  }
0x99: {  	s3 =	sld [smem:$0x3FFC];
	_ =	sdelay $0x3  }
0x9a: {  	_ =	strace s3  }
0x9b: {  	s3 =	sld [smem:$0x3FFD];
	_ =	sdelay $0x3  }
0x9c: {  	_ =	strace s3  }
0x9d: {  	_ =	strace $0x8FFFFFFF  }
0x9e: {  	s18 =	sld [smem:$0x3FDB];
	_ =	sdelay $0x1  }
0x9f: {  	s19 =	simm.s32 $_scs_section_size  }
0xa0: {  	s5 =	simm.s32 $_size__tile_overlayer_lowered;
	s6 =	simm.s32 $_tile_overlayer_lowered  }
0xa1: {  	s22 =	simm.s32 $0x1BFF;
	s21 =	sshll.u32 s6, $0x1;
	s3 =	sadd.s32 s19, s18  }
0xa2: {  	s7 =	simm.s32 $0x0;
	s20 =	sshll.u32 s5, $0x1;
	s5 =	sadd.s32 s21, s3  }
0xa3: {  	[timem:s7], [sflag:s22] =	dma.local [hbm:s5], s20  }
0xa4: {  	_ =	swait.ge [sflag:s22], s20  }
0xa5: {  	s4 =	ssub.s32 $0x0, s20;
	[sflag:s22] =	ssyncset.done $0x0  }
0xa6: {  	[sflag:s22] =	ssyncadd.s32 s4;
	_ =	sdelay $0x1  }
0xa7: {  	s23 =	simm.s32 $0x1B8B  }
0xa8: {  	_ =	swait.ge [sflag:s23], $0x1  }
0xa9: {  	[sflag:s23] =	ssyncset.done $0x0  }
0xaa: {  	s25 =	simm.s32 $0x1B8E;
	s24 =	sld [smem:$0x3FFE];
	[sflag:s23] =	ssyncadd.s32 $0xFFFFFFFF  }
0xab: {  	s26 =	simm.s32 $execute0_lowered;
	[smem:$0x3FD2] =	sst s25  }
0xac: {  	s5 =	sshll.u32 s26, $0x1;
	_ =	strace $0x80000049;
	[dreg:$0x1] =	wrdreg $0xFFFFFFFF  }
0xad: {  	s28 =	simm.s32 $_size_execute0_lowered;
	s3 =	sadd.s32 s3, s5;
	[dreg:$0x0] =	wrdreg $0x0  }
0xae: {  	s5 =	sshll.u32 s28, $0x1;
	[dreg:$0x2] =	wrdreg s3  }
0xaf: {  	[dreg:$0x3] =	wrdreg s5  }
0xb0: {  	[dreg:$0x4] =	wrdreg $0xC0  }
0xb1: {  	_ =	task [dreg:s7], $0x5FFFF  }
0xb2: {  	[dreg:$0x1] =	wrdreg $0xFFFFFFFF  }
0xb3: {  	[dreg:$0x0] =	wrdreg $0x60  }
0xb4: {  	[dreg:$0x2] =	wrdreg s24  }
0xb5: {  	[dreg:$0x3] =	wrdreg s16  }
0xb6: {  	[dreg:$0x4] =	wrdreg $0x9  }
0xb7: {  	_ =	task.clear_ibuf [dreg:s7], $0x5FFFF;
	_ =	strace $0x90000049  }
0xb8: {  	s29 =	simm.s32 $0x9;
	_ =	strace $0x8000004B  }
0xb9: {  	_ =	swait.ge [sflag:s29], $0x1  }
0xba: {  	[sflag:s29] =	ssyncadd.s32 $0xFFFFFFFF  }
0xbb: {  	_ =	strace $0x9000004B  }
0xbc: {  	_ =	sfence  }
0xbd: {  	s30 =	sld [smem:$0x0];
	_ =	sdelay $0x2  }
0xbe: {  	s31 =	sshll.u32 s1, $0xD;
	s1 =	sshrl.u32 s1, $0x2  }
0xbf: {  	s3 =	sand.u32 $0x4000, s31;
	s1 =	sadd.s32 s1, s30  }
0xc0: {  	s0 =	sor.u32 s3, s0;
	s1 =	sshll.u32 s1, $0x11  }
0xc1: {  	s0 =	sor.u32 s1, s0  }
0xc2: {  	s0 =	sadd.s32 $0x8F2B, s0  }
0xc3: {  	[sflag:s0] =	ssyncadd.remote.s32 $0x1  }
0xc4: {  	_ =	sfence.sel $0xFFFF  }
0xc5: {  	[dreg:$0x0] =	wrdreg $0xFFFFFFFF;
	(pc) =	sbr.abs _section_cstart, $3  }
0xc6: {  	[dreg:$0x1] =	wrdreg $0xFFFFFFFF  }
0xc7: {  	_ =	task.clear_ibuf [dreg:s7], $0x2FFFF;
	_ =	strace $0x9FFFFFFF  }
0xc8: {  	(tm) =	ssettm $0x7FFFFFFF  }
0xc9: {  	_ =	shalt  }
tec
execute0_lowered:
.L_overlay_start_1:
0x0: {  	(tag) =	ssettag $0x1  }
0x1: {  	s0 =	srdreg.scid  }
0x2: {  	s1 =	rddreg [dreg:$0x0];
	s2 =	stileid.u32  }
0x3: {  	s4 =	rddreg [dreg:$0x1];
	s9 =	simm.s32 $0x100;
	s11 =	simm.s32 $0x900  }
0x4: {  	s12 =	simm.s32 $0x1100;
	s13 =	simm.s32 $0x1900;
	s14 =	simm.s32 $0x2100  }
0x5: {  	s15 =	simm.s32 $0x2900;
	s16 =	simm.s32 $0x3100;
	s17 =	simm.s32 $0x3900  }
0x6: {  	s18 =	simm.s32 $0x4100;
	s19 =	simm.s32 $0x4900;
	s20 =	simm.s32 $0x5100  }
0x7: {  	s21 =	simm.s32 $0x5900;
	s22 =	simm.s32 $0x6100;
	s28 =	simm.s32 $0x8900  }
0x8: {  	s29 =	simm.s32 $0x9100;
	s30 =	simm.s32 $0x9900;
	s0 =	sand.u32 $0x1, s0  }
0x9: {  	s3 =	sshll.u32 s2, $0x6;
	s2 =	simm.s32 $0x0;
	s5 =	sshll.u32 s0, $0x5  }
0xa: {  	s31 =	simm.s32 $0xA100;
	[smem:$0x7FF] =	sst s2;
	s5 =	sor.u32 s5, s3  }
0xb: {  	s0 =	ssub.s32 $0x2, s0;
	_ =	strace $0x8000004A;
	s6 =	smul.u32 $0x300, s5  }
0xc: {  	s3 =	sadd.s32 $0x181400, s1;
	s25 =	sshrl.u32 s0, $0x1;
	s7 =	smul.u32 $0x1800, s5  }
0xd: {  	s5 =	sadd.s32 s5, s1;
	s0 =	ssub.s32 s0, s25;
	s25 =	simm.s32 $0x7900  }
0xe: {  	s5 =	sadd.s32 $0x1000, s5;
	s8 =	sadd.s32 s4, s6;
	s23 =	sshrl.u32 s7, $0x3  }
0xf: {  	[dreg:$0x3] =	wrdreg s5;
	s5 =	sadd.s32 $0x181500, s1;
	s6 =	sadd.s32 $0x181600, s1  }
0x10: {  	s7 =	smax.u32 s0, $0x1;
	s1 =	simm.s32 $0xA900;
	[dreg:$0x7] =	wrdreg s8  }
0x11: {  	s24 =	sadd.s32 $0x1800, s8;
	s4 =	sadd.s32 s4, s23;
	s8 =	simm.s32 $0x2  }
0x12: {  	v2 =	vlaneseq.u32;
	s23 =	simm.s32 $0x6900;
	[dreg:$0x4] =	wrdreg s24;
	s26 =	sadd.s32 $0x3000, s4  }
0x13: {  	vm0 =	vmmov $0xffff;
	v1 =	vshrl.u32 v2, $0x3;
	s4 =	sadd.s32 $0x4800, s4;
	s24 =	simm.s32 $0x7100;
	[dreg:$0x5] =	wrdreg s26  }
0x14: {  	v0 =	vand.u32 $0x7, v2;
	v2 =	vor.u32 $0x8, v2;
	v1 =	vmul.u32 $0x8, v1;
	[dreg:$0x6] =	wrdreg s4;
	s4 =	simm.s32 $0x1;
	s26 =	simm.s32 $0x8100  }
.LBB2_1:
0x15: {  	s10 =	rddreg [dreg:$0x3]  }
0x16: {  	[tilespmem:s2], [sflag:$0x2] =	stream.linear.gather [hbm4b:s10+s2], $0x100, $0x38;
	[tilespmem:$0xC100] =	vst v63  }
0x17: {  	_ =	swait.ge [sflag:s8], $0x100  }
0x18: {  	[sflag:s8] =	ssyncset.done $0x0  }
0x19: {  	[sflag:s8] =	ssyncadd.s32 $0xFFFFFF00  }
0x1a: {  	v3 =	vld [tilespmem:$0x0];
	_ =	sdelay $0x4  }
0x1b: {  	v4 =	vshrl.u32 v3, $0x3  }
0x1c: {  	v4 =	vmul.u32 $0x30, v4  }
0x1d: {  	v3 =	vand.u32 $0x7, v3  }
0x1e: {  	v3 =	vor.u32 v3, v4  }
0x1f: {  	v4 =	vperm.xlane v3, v0;
	_ =	sdelay $0x1  }
0x20: {  	v4 =	vadd.s32 v1, v4;
	_ =	sdelay $0x3  }
0x21: {  	v3 =	vperm.xlane v3, v2  }
0x22: {  	[tilespmem:s9], [sflag:$0x1] =	stream.indirect_vreg.gather [hbm4b:s3+s2], $0x80, v4, vm0, $0xb8;
	[tilespmem:$0xC100] =	vst v63  }
0x23: {  	v3 =	vadd.s32 v1, v3  }
0x24: {  	[tilespmem:s11], [sflag:$0x1] =	stream.indirect_vreg.gather [hbm4b:s5+s2], $0x80, v4, vm0, $0xb8;
	[tilespmem:$0xC100] =	vst v63  }
0x25: {  	_ = 	snop  }
0x26: {  	[tilespmem:s12], [sflag:$0x1] =	stream.indirect_vreg.gather [hbm4b:s6+s2], $0x80, v4, vm0, $0xb8;
	[tilespmem:$0xC100] =	vst v63  }
0x27: {  	_ = 	snop  }
0x28: {  	[tilespmem:s13], [sflag:$0x1] =	stream.indirect_vreg.gather [hbm4b:s3+s2], $0x80, v3, vm0, $0xb8;
	[tilespmem:$0xC100] =	vst v63  }
0x29: {  	_ = 	snop  }
0x2a: {  	[tilespmem:s14], [sflag:$0x1] =	stream.indirect_vreg.gather [hbm4b:s5+s2], $0x80, v3, vm0, $0xb8;
	[tilespmem:$0xC100] =	vst v63  }
0x2b: {  	_ = 	snop  }
0x2c: {  	[tilespmem:s15], [sflag:$0x1] =	stream.indirect_vreg.gather [hbm4b:s6+s2], $0x80, v3, vm0, $0xb8;
	[tilespmem:$0xC100] =	vst v63  }
0x2d: {  	v3 =	vld [tilespmem:$0x10];
	_ =	sdelay $0x4  }
0x2e: {  	v49 =	vshrl.u32 v3, $0x3  }
0x2f: {  	v4 =	vmul.u32 $0x30, v49  }
0x30: {  	v3 =	vand.u32 $0x7, v3  }
0x31: {  	v3 =	vor.u32 v3, v4  }
0x32: {  	v4 =	vperm.xlane v3, v0;
	_ =	sdelay $0x1  }
0x33: {  	v4 =	vadd.s32 v1, v4;
	_ =	sdelay $0x3  }
0x34: {  	v3 =	vperm.xlane v3, v2  }
0x35: {  	[tilespmem:s16], [sflag:$0x1] =	stream.indirect_vreg.gather [hbm4b:s3+s2], $0x80, v4, vm0, $0xb8;
	[tilespmem:$0xC100] =	vst v63  }
0x36: {  	v3 =	vadd.s32 v1, v3  }
0x37: {  	[tilespmem:s17], [sflag:$0x1] =	stream.indirect_vreg.gather [hbm4b:s5+s2], $0x80, v4, vm0, $0xb8;
	[tilespmem:$0xC100] =	vst v63  }
0x38: {  	_ = 	snop  }
0x39: {  	[tilespmem:s18], [sflag:$0x1] =	stream.indirect_vreg.gather [hbm4b:s6+s2], $0x80, v4, vm0, $0xb8;
	[tilespmem:$0xC100] =	vst v63  }
0x3a: {  	_ = 	snop  }
0x3b: {  	[tilespmem:s19], [sflag:$0x1] =	stream.indirect_vreg.gather [hbm4b:s3+s2], $0x80, v3, vm0, $0xb8;
	[tilespmem:$0xC100] =	vst v63  }
0x3c: {  	_ = 	snop  }
0x3d: {  	[tilespmem:s20], [sflag:$0x1] =	stream.indirect_vreg.gather [hbm4b:s5+s2], $0x80, v3, vm0, $0xb8;
	[tilespmem:$0xC100] =	vst v63  }
0x3e: {  	_ = 	snop  }
0x3f: {  	[tilespmem:s21], [sflag:$0x1] =	stream.indirect_vreg.gather [hbm4b:s6+s2], $0x80, v3, vm0, $0xb8;
	[tilespmem:$0xC100] =	vst v63  }
0x40: {  	v3 =	vld [tilespmem:$0x20];
	_ =	sdelay $0x4  }
0x41: {  	v50 =	vshrl.u32 v3, $0x3  }
0x42: {  	v4 =	vmul.u32 $0x30, v50  }
0x43: {  	v3 =	vand.u32 $0x7, v3  }
0x44: {  	v3 =	vor.u32 v3, v4  }
0x45: {  	v4 =	vperm.xlane v3, v0;
	_ =	sdelay $0x1  }
0x46: {  	v4 =	vadd.s32 v1, v4;
	_ =	sdelay $0x3  }
0x47: {  	v3 =	vperm.xlane v3, v2  }
0x48: {  	[tilespmem:s22], [sflag:$0x1] =	stream.indirect_vreg.gather [hbm4b:s3+s2], $0x80, v4, vm0, $0xb8;
	[tilespmem:$0xC100] =	vst v63  }
0x49: {  	v3 =	vadd.s32 v1, v3  }
0x4a: {  	[tilespmem:s23], [sflag:$0x1] =	stream.indirect_vreg.gather [hbm4b:s5+s2], $0x80, v4, vm0, $0xb8;
	[tilespmem:$0xC100] =	vst v63  }
0x4b: {  	_ = 	snop  }
0x4c: {  	[tilespmem:s24], [sflag:$0x1] =	stream.indirect_vreg.gather [hbm4b:s6+s2], $0x80, v4, vm0, $0xb8;
	[tilespmem:$0xC100] =	vst v63  }
0x4d: {  	_ = 	snop  }
0x4e: {  	[tilespmem:s25], [sflag:$0x1] =	stream.indirect_vreg.gather [hbm4b:s3+s2], $0x80, v3, vm0, $0xb8;
	[tilespmem:$0xC100] =	vst v63  }
0x4f: {  	_ = 	snop  }
0x50: {  	[tilespmem:s26], [sflag:$0x1] =	stream.indirect_vreg.gather [hbm4b:s5+s2], $0x80, v3, vm0, $0xb8;
	[tilespmem:$0xC100] =	vst v63  }
0x51: {  	_ = 	snop  }
0x52: {  	[tilespmem:s28], [sflag:$0x1] =	stream.indirect_vreg.gather [hbm4b:s6+s2], $0x80, v3, vm0, $0xb8;
	[tilespmem:$0xC100] =	vst v63  }
0x53: {  	v3 =	vld [tilespmem:$0x30];
	_ =	sdelay $0x4  }
0x54: {  	v51 =	vshrl.u32 v3, $0x3  }
0x55: {  	v4 =	vmul.u32 $0x30, v51  }
0x56: {  	v3 =	vand.u32 $0x7, v3  }
0x57: {  	v3 =	vor.u32 v3, v4  }
0x58: {  	v4 =	vperm.xlane v3, v0;
	_ =	sdelay $0x1  }
0x59: {  	v4 =	vadd.s32 v1, v4;
	_ =	sdelay $0x3  }
0x5a: {  	v3 =	vperm.xlane v3, v2  }
0x5b: {  	[tilespmem:s29], [sflag:$0x1] =	stream.indirect_vreg.gather [hbm4b:s3+s2], $0x80, v4, vm0, $0xb8;
	[tilespmem:$0xC100] =	vst v63  }
0x5c: {  	v3 =	vadd.s32 v1, v3  }
0x5d: {  	[tilespmem:s30], [sflag:$0x1] =	stream.indirect_vreg.gather [hbm4b:s5+s2], $0x80, v4, vm0, $0xb8;
	[tilespmem:$0xC100] =	vst v63  }
0x5e: {  	_ = 	snop  }
0x5f: {  	[tilespmem:s31], [sflag:$0x1] =	stream.indirect_vreg.gather [hbm4b:s6+s2], $0x80, v4, vm0, $0xb8;
	[tilespmem:$0xC100] =	vst v63  }
0x60: {  	_ = 	snop  }
0x61: {  	[tilespmem:s1], [sflag:$0x1] =	stream.indirect_vreg.gather [hbm4b:s3+s2], $0x80, v3, vm0, $0xb8;
	[tilespmem:$0xC100] =	vst v63  }
0x62: {  	s0 =	simm.s32 $0xB100  }
0x63: {  	[tilespmem:s0], [sflag:$0x1] =	stream.indirect_vreg.gather [hbm4b:s5+s2], $0x80, v3, vm0, $0xb8;
	[tilespmem:$0xC100] =	vst v63  }
0x64: {  	s10 =	simm.s32 $0xB900  }
0x65: {  	[tilespmem:s10], [sflag:$0x1] =	stream.indirect_vreg.gather [hbm4b:s6+s2], $0x80, v3, vm0, $0xb8;
	[tilespmem:$0xC100] =	vst v63  }
0x66: {  	_ =	swait.ge [sflag:s4], $0xC000  }
0x67: {  	[sflag:s4] =	ssyncset.done $0x0  }
0x68: {  	s10 =	rddreg [dreg:$0x7];
	[sflag:s4] =	ssyncadd.s32 $0xFFFF4000  }
0x69: {  	[hbm4b:s10+s2] =	stream.linear.scatter [tilespmem:s9], [sflag:$0x2], $0xC000, $0x38;
	[tilespmem:$0xC100] =	vst v63  }
0x6a: {  	_ =	swait.ge [sflag:s8], $0xC000  }
0x6b: {  	[sflag:s8] =	ssyncset.done $0x0  }
0x6c: {  	[sflag:s8] =	ssyncadd.s32 $0xFFFF4000  }
0x6d: {  	v3 =	vld [tilespmem:$0x40];
	_ =	sdelay $0x4  }
0x6e: {  	v52 =	vshrl.u32 v3, $0x3  }
0x6f: {  	v4 =	vmul.u32 $0x30, v52  }
0x70: {  	v3 =	vand.u32 $0x7, v3  }
0x71: {  	v3 =	vor.u32 v3, v4  }
0x72: {  	v4 =	vperm.xlane v3, v0;
	_ =	sdelay $0x1  }
0x73: {  	v4 =	vadd.s32 v1, v4;
	_ =	sdelay $0x3  }
0x74: {  	v3 =	vperm.xlane v3, v2  }
0x75: {  	[tilespmem:s9], [sflag:$0x1] =	stream.indirect_vreg.gather [hbm4b:s3+s2], $0x80, v4, vm0, $0xb8;
	[tilespmem:$0xC100] =	vst v63  }
0x76: {  	v3 =	vadd.s32 v1, v3  }
0x77: {  	[tilespmem:s11], [sflag:$0x1] =	stream.indirect_vreg.gather [hbm4b:s5+s2], $0x80, v4, vm0, $0xb8;
	[tilespmem:$0xC100] =	vst v63  }
0x78: {  	_ = 	snop  }
0x79: {  	[tilespmem:s12], [sflag:$0x1] =	stream.indirect_vreg.gather [hbm4b:s6+s2], $0x80, v4, vm0, $0xb8;
	[tilespmem:$0xC100] =	vst v63  }
0x7a: {  	_ = 	snop  }
0x7b: {  	[tilespmem:s13], [sflag:$0x1] =	stream.indirect_vreg.gather [hbm4b:s3+s2], $0x80, v3, vm0, $0xb8;
	[tilespmem:$0xC100] =	vst v63  }
0x7c: {  	_ = 	snop  }
0x7d: {  	[tilespmem:s14], [sflag:$0x1] =	stream.indirect_vreg.gather [hbm4b:s5+s2], $0x80, v3, vm0, $0xb8;
	[tilespmem:$0xC100] =	vst v63  }
0x7e: {  	_ = 	snop  }
0x7f: {  	[tilespmem:s15], [sflag:$0x1] =	stream.indirect_vreg.gather [hbm4b:s6+s2], $0x80, v3, vm0, $0xb8;
	[tilespmem:$0xC100] =	vst v63  }
0x80: {  	v3 =	vld [tilespmem:$0x50];
	_ =	sdelay $0x4  }
0x81: {  	v53 =	vshrl.u32 v3, $0x3  }
0x82: {  	v4 =	vmul.u32 $0x30, v53  }
0x83: {  	v3 =	vand.u32 $0x7, v3  }
0x84: {  	v3 =	vor.u32 v3, v4  }
0x85: {  	v4 =	vperm.xlane v3, v0;
	_ =	sdelay $0x1  }
0x86: {  	v4 =	vadd.s32 v1, v4;
	_ =	sdelay $0x3  }
0x87: {  	v3 =	vperm.xlane v3, v2  }
0x88: {  	[tilespmem:s16], [sflag:$0x1] =	stream.indirect_vreg.gather [hbm4b:s3+s2], $0x80, v4, vm0, $0xb8;
	[tilespmem:$0xC100] =	vst v63  }
0x89: {  	v3 =	vadd.s32 v1, v3  }
0x8a: {  	[tilespmem:s17], [sflag:$0x1] =	stream.indirect_vreg.gather [hbm4b:s5+s2], $0x80, v4, vm0, $0xb8;
	[tilespmem:$0xC100] =	vst v63  }
0x8b: {  	_ = 	snop  }
0x8c: {  	[tilespmem:s18], [sflag:$0x1] =	stream.indirect_vreg.gather [hbm4b:s6+s2], $0x80, v4, vm0, $0xb8;
	[tilespmem:$0xC100] =	vst v63  }
0x8d: {  	_ = 	snop  }
0x8e: {  	[tilespmem:s19], [sflag:$0x1] =	stream.indirect_vreg.gather [hbm4b:s3+s2], $0x80, v3, vm0, $0xb8;
	[tilespmem:$0xC100] =	vst v63  }
0x8f: {  	_ = 	snop  }
0x90: {  	[tilespmem:s20], [sflag:$0x1] =	stream.indirect_vreg.gather [hbm4b:s5+s2], $0x80, v3, vm0, $0xb8;
	[tilespmem:$0xC100] =	vst v63  }
0x91: {  	_ = 	snop  }
0x92: {  	[tilespmem:s21], [sflag:$0x1] =	stream.indirect_vreg.gather [hbm4b:s6+s2], $0x80, v3, vm0, $0xb8;
	[tilespmem:$0xC100] =	vst v63  }
0x93: {  	v3 =	vld [tilespmem:$0x60];
	_ =	sdelay $0x4  }
0x94: {  	v54 =	vshrl.u32 v3, $0x3  }
0x95: {  	v4 =	vmul.u32 $0x30, v54  }
0x96: {  	v3 =	vand.u32 $0x7, v3  }
0x97: {  	v3 =	vor.u32 v3, v4  }
0x98: {  	v4 =	vperm.xlane v3, v0;
	_ =	sdelay $0x1  }
0x99: {  	v4 =	vadd.s32 v1, v4;
	_ =	sdelay $0x3  }
0x9a: {  	v3 =	vperm.xlane v3, v2  }
0x9b: {  	[tilespmem:s22], [sflag:$0x1] =	stream.indirect_vreg.gather [hbm4b:s3+s2], $0x80, v4, vm0, $0xb8;
	[tilespmem:$0xC100] =	vst v63  }
0x9c: {  	v3 =	vadd.s32 v1, v3  }
0x9d: {  	[tilespmem:s23], [sflag:$0x1] =	stream.indirect_vreg.gather [hbm4b:s5+s2], $0x80, v4, vm0, $0xb8;
	[tilespmem:$0xC100] =	vst v63  }
0x9e: {  	_ = 	snop  }
0x9f: {  	[tilespmem:s24], [sflag:$0x1] =	stream.indirect_vreg.gather [hbm4b:s6+s2], $0x80, v4, vm0, $0xb8;
	[tilespmem:$0xC100] =	vst v63  }
0xa0: {  	_ = 	snop  }
0xa1: {  	[tilespmem:s25], [sflag:$0x1] =	stream.indirect_vreg.gather [hbm4b:s3+s2], $0x80, v3, vm0, $0xb8;
	[tilespmem:$0xC100] =	vst v63  }
0xa2: {  	_ = 	snop  }
0xa3: {  	[tilespmem:s26], [sflag:$0x1] =	stream.indirect_vreg.gather [hbm4b:s5+s2], $0x80, v3, vm0, $0xb8;
	[tilespmem:$0xC100] =	vst v63  }
0xa4: {  	_ = 	snop  }
0xa5: {  	[tilespmem:s28], [sflag:$0x1] =	stream.indirect_vreg.gather [hbm4b:s6+s2], $0x80, v3, vm0, $0xb8;
	[tilespmem:$0xC100] =	vst v63  }
0xa6: {  	v3 =	vld [tilespmem:$0x70];
	_ =	sdelay $0x4  }
0xa7: {  	v55 =	vshrl.u32 v3, $0x3  }
0xa8: {  	v4 =	vmul.u32 $0x30, v55  }
0xa9: {  	v3 =	vand.u32 $0x7, v3  }
0xaa: {  	v3 =	vor.u32 v3, v4  }
0xab: {  	v4 =	vperm.xlane v3, v0;
	_ =	sdelay $0x1  }
0xac: {  	v4 =	vadd.s32 v1, v4;
	_ =	sdelay $0x3  }
0xad: {  	v3 =	vperm.xlane v3, v2  }
0xae: {  	[tilespmem:s29], [sflag:$0x1] =	stream.indirect_vreg.gather [hbm4b:s3+s2], $0x80, v4, vm0, $0xb8;
	[tilespmem:$0xC100] =	vst v63  }
0xaf: {  	v3 =	vadd.s32 v1, v3  }
0xb0: {  	[tilespmem:s30], [sflag:$0x1] =	stream.indirect_vreg.gather [hbm4b:s5+s2], $0x80, v4, vm0, $0xb8;
	[tilespmem:$0xC100] =	vst v63  }
0xb1: {  	_ = 	snop  }
0xb2: {  	[tilespmem:s31], [sflag:$0x1] =	stream.indirect_vreg.gather [hbm4b:s6+s2], $0x80, v4, vm0, $0xb8;
	[tilespmem:$0xC100] =	vst v63  }
0xb3: {  	_ = 	snop  }
0xb4: {  	[tilespmem:s1], [sflag:$0x1] =	stream.indirect_vreg.gather [hbm4b:s3+s2], $0x80, v3, vm0, $0xb8;
	[tilespmem:$0xC100] =	vst v63  }
0xb5: {  	_ = 	snop  }
0xb6: {  	[tilespmem:s0], [sflag:$0x1] =	stream.indirect_vreg.gather [hbm4b:s5+s2], $0x80, v3, vm0, $0xb8;
	[tilespmem:$0xC100] =	vst v63  }
0xb7: {  	s10 =	simm.s32 $0xB900  }
0xb8: {  	[tilespmem:s10], [sflag:$0x1] =	stream.indirect_vreg.gather [hbm4b:s6+s2], $0x80, v3, vm0, $0xb8;
	[tilespmem:$0xC100] =	vst v63  }
0xb9: {  	_ =	swait.ge [sflag:s4], $0xC000  }
0xba: {  	[sflag:s4] =	ssyncset.done $0x0  }
0xbb: {  	s10 =	rddreg [dreg:$0x4];
	[sflag:s4] =	ssyncadd.s32 $0xFFFF4000  }
0xbc: {  	[hbm4b:s10+s2] =	stream.linear.scatter [tilespmem:s9], [sflag:$0x2], $0xC000, $0x38;
	[tilespmem:$0xC100] =	vst v63  }
0xbd: {  	_ =	swait.ge [sflag:s8], $0xC000  }
0xbe: {  	[sflag:s8] =	ssyncset.done $0x0  }
0xbf: {  	[sflag:s8] =	ssyncadd.s32 $0xFFFF4000  }
0xc0: {  	v3 =	vld [tilespmem:$0x80];
	_ =	sdelay $0x4  }
0xc1: {  	v56 =	vshrl.u32 v3, $0x3  }
0xc2: {  	v4 =	vmul.u32 $0x30, v56  }
0xc3: {  	v3 =	vand.u32 $0x7, v3  }
0xc4: {  	v3 =	vor.u32 v3, v4  }
0xc5: {  	v4 =	vperm.xlane v3, v0;
	_ =	sdelay $0x1  }
0xc6: {  	v4 =	vadd.s32 v1, v4;
	_ =	sdelay $0x3  }
0xc7: {  	v3 =	vperm.xlane v3, v2  }
0xc8: {  	[tilespmem:s9], [sflag:$0x1] =	stream.indirect_vreg.gather [hbm4b:s3+s2], $0x80, v4, vm0, $0xb8;
	[tilespmem:$0xC100] =	vst v63  }
0xc9: {  	v3 =	vadd.s32 v1, v3  }
0xca: {  	[tilespmem:s11], [sflag:$0x1] =	stream.indirect_vreg.gather [hbm4b:s5+s2], $0x80, v4, vm0, $0xb8;
	[tilespmem:$0xC100] =	vst v63  }
0xcb: {  	_ = 	snop  }
0xcc: {  	[tilespmem:s12], [sflag:$0x1] =	stream.indirect_vreg.gather [hbm4b:s6+s2], $0x80, v4, vm0, $0xb8;
	[tilespmem:$0xC100] =	vst v63  }
0xcd: {  	_ = 	snop  }
0xce: {  	[tilespmem:s13], [sflag:$0x1] =	stream.indirect_vreg.gather [hbm4b:s3+s2], $0x80, v3, vm0, $0xb8;
	[tilespmem:$0xC100] =	vst v63  }
0xcf: {  	_ = 	snop  }
0xd0: {  	[tilespmem:s14], [sflag:$0x1] =	stream.indirect_vreg.gather [hbm4b:s5+s2], $0x80, v3, vm0, $0xb8;
	[tilespmem:$0xC100] =	vst v63  }
0xd1: {  	_ = 	snop  }
0xd2: {  	[tilespmem:s15], [sflag:$0x1] =	stream.indirect_vreg.gather [hbm4b:s6+s2], $0x80, v3, vm0, $0xb8;
	[tilespmem:$0xC100] =	vst v63  }
0xd3: {  	v3 =	vld [tilespmem:$0x90];
	_ =	sdelay $0x4  }
0xd4: {  	v57 =	vshrl.u32 v3, $0x3  }
0xd5: {  	v4 =	vmul.u32 $0x30, v57  }
0xd6: {  	v3 =	vand.u32 $0x7, v3  }
0xd7: {  	v3 =	vor.u32 v3, v4  }
0xd8: {  	v4 =	vperm.xlane v3, v0;
	_ =	sdelay $0x1  }
0xd9: {  	v4 =	vadd.s32 v1, v4;
	_ =	sdelay $0x3  }
0xda: {  	v3 =	vperm.xlane v3, v2  }
0xdb: {  	[tilespmem:s16], [sflag:$0x1] =	stream.indirect_vreg.gather [hbm4b:s3+s2], $0x80, v4, vm0, $0xb8;
	[tilespmem:$0xC100] =	vst v63  }
0xdc: {  	v3 =	vadd.s32 v1, v3  }
0xdd: {  	[tilespmem:s17], [sflag:$0x1] =	stream.indirect_vreg.gather [hbm4b:s5+s2], $0x80, v4, vm0, $0xb8;
	[tilespmem:$0xC100] =	vst v63  }
0xde: {  	_ = 	snop  }
0xdf: {  	[tilespmem:s18], [sflag:$0x1] =	stream.indirect_vreg.gather [hbm4b:s6+s2], $0x80, v4, vm0, $0xb8;
	[tilespmem:$0xC100] =	vst v63  }
0xe0: {  	_ = 	snop  }
0xe1: {  	[tilespmem:s19], [sflag:$0x1] =	stream.indirect_vreg.gather [hbm4b:s3+s2], $0x80, v3, vm0, $0xb8;
	[tilespmem:$0xC100] =	vst v63  }
0xe2: {  	_ = 	snop  }
0xe3: {  	[tilespmem:s20], [sflag:$0x1] =	stream.indirect_vreg.gather [hbm4b:s5+s2], $0x80, v3, vm0, $0xb8;
	[tilespmem:$0xC100] =	vst v63  }
0xe4: {  	_ = 	snop  }
0xe5: {  	[tilespmem:s21], [sflag:$0x1] =	stream.indirect_vreg.gather [hbm4b:s6+s2], $0x80, v3, vm0, $0xb8;
	[tilespmem:$0xC100] =	vst v63  }
0xe6: {  	v3 =	vld [tilespmem:$0xA0];
	_ =	sdelay $0x4  }
0xe7: {  	v58 =	vshrl.u32 v3, $0x3  }
0xe8: {  	v4 =	vmul.u32 $0x30, v58  }
0xe9: {  	v3 =	vand.u32 $0x7, v3  }
0xea: {  	v3 =	vor.u32 v3, v4  }
0xeb: {  	v4 =	vperm.xlane v3, v0;
	_ =	sdelay $0x1  }
0xec: {  	v4 =	vadd.s32 v1, v4;
	_ =	sdelay $0x3  }
0xed: {  	v3 =	vperm.xlane v3, v2  }
0xee: {  	[tilespmem:s22], [sflag:$0x1] =	stream.indirect_vreg.gather [hbm4b:s3+s2], $0x80, v4, vm0, $0xb8;
	[tilespmem:$0xC100] =	vst v63  }
0xef: {  	v3 =	vadd.s32 v1, v3  }
0xf0: {  	[tilespmem:s23], [sflag:$0x1] =	stream.indirect_vreg.gather [hbm4b:s5+s2], $0x80, v4, vm0, $0xb8;
	[tilespmem:$0xC100] =	vst v63  }
0xf1: {  	_ = 	snop  }
0xf2: {  	[tilespmem:s24], [sflag:$0x1] =	stream.indirect_vreg.gather [hbm4b:s6+s2], $0x80, v4, vm0, $0xb8;
	[tilespmem:$0xC100] =	vst v63  }
0xf3: {  	_ = 	snop  }
0xf4: {  	[tilespmem:s25], [sflag:$0x1] =	stream.indirect_vreg.gather [hbm4b:s3+s2], $0x80, v3, vm0, $0xb8;
	[tilespmem:$0xC100] =	vst v63  }
0xf5: {  	_ = 	snop  }
0xf6: {  	[tilespmem:s26], [sflag:$0x1] =	stream.indirect_vreg.gather [hbm4b:s5+s2], $0x80, v3, vm0, $0xb8;
	[tilespmem:$0xC100] =	vst v63  }
0xf7: {  	_ = 	snop  }
0xf8: {  	[tilespmem:s28], [sflag:$0x1] =	stream.indirect_vreg.gather [hbm4b:s6+s2], $0x80, v3, vm0, $0xb8;
	[tilespmem:$0xC100] =	vst v63  }
0xf9: {  	v3 =	vld [tilespmem:$0xB0];
	_ =	sdelay $0x4  }
0xfa: {  	v59 =	vshrl.u32 v3, $0x3  }
0xfb: {  	v4 =	vmul.u32 $0x30, v59  }
0xfc: {  	v3 =	vand.u32 $0x7, v3  }
0xfd: {  	v3 =	vor.u32 v3, v4  }
0xfe: {  	v4 =	vperm.xlane v3, v0;
	_ =	sdelay $0x1  }
0xff: {  	v4 =	vadd.s32 v1, v4;
	_ =	sdelay $0x3  }
0x100: {  	v3 =	vperm.xlane v3, v2  }
0x101: {  	[tilespmem:s29], [sflag:$0x1] =	stream.indirect_vreg.gather [hbm4b:s3+s2], $0x80, v4, vm0, $0xb8;
	[tilespmem:$0xC100] =	vst v63  }
0x102: {  	v3 =	vadd.s32 v1, v3  }
0x103: {  	[tilespmem:s30], [sflag:$0x1] =	stream.indirect_vreg.gather [hbm4b:s5+s2], $0x80, v4, vm0, $0xb8;
	[tilespmem:$0xC100] =	vst v63  }
0x104: {  	_ = 	snop  }
0x105: {  	[tilespmem:s31], [sflag:$0x1] =	stream.indirect_vreg.gather [hbm4b:s6+s2], $0x80, v4, vm0, $0xb8;
	[tilespmem:$0xC100] =	vst v63  }
0x106: {  	_ = 	snop  }
0x107: {  	[tilespmem:s1], [sflag:$0x1] =	stream.indirect_vreg.gather [hbm4b:s3+s2], $0x80, v3, vm0, $0xb8;
	[tilespmem:$0xC100] =	vst v63  }
0x108: {  	_ = 	snop  }
0x109: {  	[tilespmem:s0], [sflag:$0x1] =	stream.indirect_vreg.gather [hbm4b:s5+s2], $0x80, v3, vm0, $0xb8;
	[tilespmem:$0xC100] =	vst v63  }
0x10a: {  	s10 =	simm.s32 $0xB900  }
0x10b: {  	[tilespmem:s10], [sflag:$0x1] =	stream.indirect_vreg.gather [hbm4b:s6+s2], $0x80, v3, vm0, $0xb8;
	[tilespmem:$0xC100] =	vst v63  }
0x10c: {  	_ =	swait.ge [sflag:s4], $0xC000  }
0x10d: {  	[sflag:s4] =	ssyncset.done $0x0  }
0x10e: {  	s10 =	rddreg [dreg:$0x5];
	[sflag:s4] =	ssyncadd.s32 $0xFFFF4000  }
0x10f: {  	[hbm4b:s10+s2] =	stream.linear.scatter [tilespmem:s9], [sflag:$0x2], $0xC000, $0x38;
	[tilespmem:$0xC100] =	vst v63  }
0x110: {  	_ =	swait.ge [sflag:s8], $0xC000  }
0x111: {  	[sflag:s8] =	ssyncset.done $0x0  }
0x112: {  	[sflag:s8] =	ssyncadd.s32 $0xFFFF4000  }
0x113: {  	v3 =	vld [tilespmem:$0xC0];
	_ =	sdelay $0x4  }
0x114: {  	v60 =	vshrl.u32 v3, $0x3  }
0x115: {  	v4 =	vmul.u32 $0x30, v60  }
0x116: {  	v3 =	vand.u32 $0x7, v3  }
0x117: {  	v3 =	vor.u32 v3, v4  }
0x118: {  	v4 =	vperm.xlane v3, v0;
	_ =	sdelay $0x1  }
0x119: {  	v4 =	vadd.s32 v1, v4;
	_ =	sdelay $0x3  }
0x11a: {  	v3 =	vperm.xlane v3, v2  }
0x11b: {  	[tilespmem:s9], [sflag:$0x1] =	stream.indirect_vreg.gather [hbm4b:s3+s2], $0x80, v4, vm0, $0xb8;
	[tilespmem:$0xC100] =	vst v63  }
0x11c: {  	v3 =	vadd.s32 v1, v3  }
0x11d: {  	[tilespmem:s11], [sflag:$0x1] =	stream.indirect_vreg.gather [hbm4b:s5+s2], $0x80, v4, vm0, $0xb8;
	[tilespmem:$0xC100] =	vst v63  }
0x11e: {  	_ = 	snop  }
0x11f: {  	[tilespmem:s12], [sflag:$0x1] =	stream.indirect_vreg.gather [hbm4b:s6+s2], $0x80, v4, vm0, $0xb8;
	[tilespmem:$0xC100] =	vst v63  }
0x120: {  	_ = 	snop  }
0x121: {  	[tilespmem:s13], [sflag:$0x1] =	stream.indirect_vreg.gather [hbm4b:s3+s2], $0x80, v3, vm0, $0xb8;
	[tilespmem:$0xC100] =	vst v63  }
0x122: {  	_ = 	snop  }
0x123: {  	[tilespmem:s14], [sflag:$0x1] =	stream.indirect_vreg.gather [hbm4b:s5+s2], $0x80, v3, vm0, $0xb8;
	[tilespmem:$0xC100] =	vst v63  }
0x124: {  	_ = 	snop  }
0x125: {  	[tilespmem:s15], [sflag:$0x1] =	stream.indirect_vreg.gather [hbm4b:s6+s2], $0x80, v3, vm0, $0xb8;
	[tilespmem:$0xC100] =	vst v63  }
0x126: {  	v3 =	vld [tilespmem:$0xD0];
	_ =	sdelay $0x4  }
0x127: {  	v61 =	vshrl.u32 v3, $0x3  }
0x128: {  	v4 =	vmul.u32 $0x30, v61  }
0x129: {  	v3 =	vand.u32 $0x7, v3  }
0x12a: {  	v3 =	vor.u32 v3, v4  }
0x12b: {  	v4 =	vperm.xlane v3, v0;
	_ =	sdelay $0x1  }
0x12c: {  	v4 =	vadd.s32 v1, v4;
	_ =	sdelay $0x3  }
0x12d: {  	v3 =	vperm.xlane v3, v2  }
0x12e: {  	[tilespmem:s16], [sflag:$0x1] =	stream.indirect_vreg.gather [hbm4b:s3+s2], $0x80, v4, vm0, $0xb8;
	[tilespmem:$0xC100] =	vst v63  }
0x12f: {  	v3 =	vadd.s32 v1, v3  }
0x130: {  	[tilespmem:s17], [sflag:$0x1] =	stream.indirect_vreg.gather [hbm4b:s5+s2], $0x80, v4, vm0, $0xb8;
	[tilespmem:$0xC100] =	vst v63  }
0x131: {  	_ = 	snop  }
0x132: {  	[tilespmem:s18], [sflag:$0x1] =	stream.indirect_vreg.gather [hbm4b:s6+s2], $0x80, v4, vm0, $0xb8;
	[tilespmem:$0xC100] =	vst v63  }
0x133: {  	_ = 	snop  }
0x134: {  	[tilespmem:s19], [sflag:$0x1] =	stream.indirect_vreg.gather [hbm4b:s3+s2], $0x80, v3, vm0, $0xb8;
	[tilespmem:$0xC100] =	vst v63  }
0x135: {  	_ = 	snop  }
0x136: {  	[tilespmem:s20], [sflag:$0x1] =	stream.indirect_vreg.gather [hbm4b:s5+s2], $0x80, v3, vm0, $0xb8;
	[tilespmem:$0xC100] =	vst v63  }
0x137: {  	_ = 	snop  }
0x138: {  	[tilespmem:s21], [sflag:$0x1] =	stream.indirect_vreg.gather [hbm4b:s6+s2], $0x80, v3, vm0, $0xb8;
	[tilespmem:$0xC100] =	vst v63  }
0x139: {  	v3 =	vld [tilespmem:$0xE0];
	_ =	sdelay $0x4  }
0x13a: {  	v62 =	vshrl.u32 v3, $0x3  }
0x13b: {  	v4 =	vmul.u32 $0x30, v62  }
0x13c: {  	v3 =	vand.u32 $0x7, v3  }
0x13d: {  	v3 =	vor.u32 v3, v4  }
0x13e: {  	v4 =	vperm.xlane v3, v0;
	_ =	sdelay $0x1  }
0x13f: {  	v4 =	vadd.s32 v1, v4;
	_ =	sdelay $0x3  }
0x140: {  	v3 =	vperm.xlane v3, v2  }
0x141: {  	[tilespmem:s22], [sflag:$0x1] =	stream.indirect_vreg.gather [hbm4b:s3+s2], $0x80, v4, vm0, $0xb8;
	[tilespmem:$0xC100] =	vst v63  }
0x142: {  	v3 =	vadd.s32 v1, v3  }
0x143: {  	[tilespmem:s23], [sflag:$0x1] =	stream.indirect_vreg.gather [hbm4b:s5+s2], $0x80, v4, vm0, $0xb8;
	[tilespmem:$0xC100] =	vst v63  }
0x144: {  	_ = 	snop  }
0x145: {  	[tilespmem:s24], [sflag:$0x1] =	stream.indirect_vreg.gather [hbm4b:s6+s2], $0x80, v4, vm0, $0xb8;
	[tilespmem:$0xC100] =	vst v63  }
0x146: {  	_ = 	snop  }
0x147: {  	[tilespmem:s25], [sflag:$0x1] =	stream.indirect_vreg.gather [hbm4b:s3+s2], $0x80, v3, vm0, $0xb8;
	[tilespmem:$0xC100] =	vst v63  }
0x148: {  	_ = 	snop  }
0x149: {  	[tilespmem:s26], [sflag:$0x1] =	stream.indirect_vreg.gather [hbm4b:s5+s2], $0x80, v3, vm0, $0xb8;
	[tilespmem:$0xC100] =	vst v63  }
0x14a: {  	_ = 	snop  }
0x14b: {  	[tilespmem:s28], [sflag:$0x1] =	stream.indirect_vreg.gather [hbm4b:s6+s2], $0x80, v3, vm0, $0xb8;
	[tilespmem:$0xC100] =	vst v63  }
0x14c: {  	v3 =	vld [tilespmem:$0xF0];
	_ =	sdelay $0x4  }
0x14d: {  	v63 =	vshrl.u32 v3, $0x3  }
0x14e: {  	v4 =	vmul.u32 $0x30, v63  }
0x14f: {  	v3 =	vand.u32 $0x7, v3  }
0x150: {  	v3 =	vor.u32 v3, v4  }
0x151: {  	v4 =	vperm.xlane v3, v0;
	_ =	sdelay $0x1  }
0x152: {  	v4 =	vadd.s32 v1, v4;
	_ =	sdelay $0x3  }
0x153: {  	v3 =	vperm.xlane v3, v2  }
0x154: {  	[tilespmem:s29], [sflag:$0x1] =	stream.indirect_vreg.gather [hbm4b:s3+s2], $0x80, v4, vm0, $0xb8;
	[tilespmem:$0xC100] =	vst v63  }
0x155: {  	v3 =	vadd.s32 v1, v3  }
0x156: {  	[tilespmem:s30], [sflag:$0x1] =	stream.indirect_vreg.gather [hbm4b:s5+s2], $0x80, v4, vm0, $0xb8;
	[tilespmem:$0xC100] =	vst v63  }
0x157: {  	_ = 	snop  }
0x158: {  	[tilespmem:s31], [sflag:$0x1] =	stream.indirect_vreg.gather [hbm4b:s6+s2], $0x80, v4, vm0, $0xb8;
	[tilespmem:$0xC100] =	vst v63  }
0x159: {  	_ = 	snop  }
0x15a: {  	[tilespmem:s1], [sflag:$0x1] =	stream.indirect_vreg.gather [hbm4b:s3+s2], $0x80, v3, vm0, $0xb8;
	[tilespmem:$0xC100] =	vst v63  }
0x15b: {  	_ = 	snop  }
0x15c: {  	[tilespmem:s0], [sflag:$0x1] =	stream.indirect_vreg.gather [hbm4b:s5+s2], $0x80, v3, vm0, $0xb8;
	[tilespmem:$0xC100] =	vst v63  }
0x15d: {  	s10 =	simm.s32 $0xB900  }
0x15e: {  	[tilespmem:s10], [sflag:$0x1] =	stream.indirect_vreg.gather [hbm4b:s6+s2], $0x80, v3, vm0, $0xb8;
	[tilespmem:$0xC100] =	vst v63  }
0x15f: {  	_ =	swait.ge [sflag:s4], $0xC000  }
0x160: {  	p0 =	sne.s32 s7, $0x1;
	[sflag:s4] =	ssyncset.done $0x0  }
.Ltmp0:
0x161: {  	s0 =	rddreg [dreg:$0x6];
	[sflag:s4] =	ssyncadd.s32 $0xFFFF4000;
	(pc) =	sbr.rel @p0 .LBB2_1-.Ltmp0, $4  }
0x162: {  	[hbm4b:s0+s2] =	stream.linear.scatter [tilespmem:s9], [sflag:$0x2], $0xC000, $0x38;
	[tilespmem:$0xC100] =	vst v63  }
0x163: {  	_ =	swait.ge [sflag:s8], $0xC000  }
0x164: {  	[sflag:s8] =	ssyncset.done $0x0  }
0x165: {  	s7 =	sadd.s32 $0xFFFFFFFF, s7;
	[sflag:s8] =	ssyncadd.s32 $0xFFFF4000  }
0x166: {  	_ =	sfence.sel $0x180000  }
0x167: {  	[bflag:$0x0] =	sbarrier.arrive $0xFFFF  }
0x168: {  	_ =	strace $0x9000004A  }
0x169: {  	s0 =	stileid.u32;
	[bflag:$0x2] =	sbarrier.arrive $0xFFFF  }
0x16a: {  	p0 =	sne.s32 s0, $0x0;
	s0 =	rddreg [dreg:$0x2]  }
0x16b: {  	s0 =	sadd.s32 @!p0 $0x100000, s0  }
0x16c: {  	[sflag:s0] =	ssyncadd.tile.s32 @!p0 $0x1;
	_ =	shalt  }
.Lfunc_end2:
_tile_overlayer_lowered:
.L_overlay_start_2:
0x16d: {  	(tag) =	ssettag $0x2  }
0x16e: {  	s0 =	rddreg [dreg:$0x0];
	s2 =	stileid.u32  }
0x16f: {  	s1 =	rddreg [dreg:$0x1];
	p0 =	sne.s32 s2, $0x0  }
0x170: {  	s3 =	rddreg [dreg:$0x2];
	[bflag:$0x3] =	sbarrier.arrive $0xFFFF;
	s2 =	simm.s32 @!p0 $0x1C02  }
0x171: {  	[timem:s3], [sflag:s2] =	dma.local @!p0 [hbm:s0], s1  }
0x172: {  	s0 =	simm.s32 @!p0 $0x2  }
0x173: {  	_ =	swait.ge @!p0 [sflag:s0], s1  }
0x174: {  	s1 =	ssub.s32 @!p0 $0x0, s1;
	[sflag:s0] =	ssyncset.done @!p0 $0x0  }
0x175: {  	[sflag:s0] =	ssyncadd.s32 @!p0 s1  }
0x176: {  	[bflag:$0x3] =	sbarrier.arrive $0xFFFF  }
0x177: {  	_ =	shalt  }

</sc_bundles>
